<compile_context>
chip_gen: v7x
topology: tpu7x:2x2x1
jax: 0.10.2.dev20260603
libtpu: 0.0.44.dev20260713+nightly
codegen_flags: <defaults>
</compile_context>

<pallas_src>
import functools

import jax
import jax.numpy as jnp
from jax import lax
from jax.experimental import pallas as pl
from jax.experimental.pallas import tpu as pltpu
from jax.experimental.pallas import tpu_sc as plsc

N = 10000
E = 320000
R2 = 400
H = 128
HH = H // 2

NC = 2
NS = 16
GL = 128
G2 = 158
GH = G2 // 2
G = 79
E_PAD = NS * G2 * GL

XS_ROWS = 512
AGG_ROWS = 10112
ZR_A = XS_ROWS // NS
ZR_B = AGG_ROWS // NS

_SLOPE = (1.0 / 8.0 + 1.0 / 3.0) / 2.0

_sc_mesh = plsc.VectorSubcoreMesh(core_axis_name="c", subcore_axis_name="s")


def _tc_a_body(emb_ref, wn_ref, h_ref, hw_ref):
    x = emb_ref[...]
    nrm = jnp.sqrt(jnp.sum(x * x, axis=1, keepdims=True))
    h = x / jnp.maximum(nrm, 1e-12)
    h_ref[...] = h
    hw = jnp.dot(h, wn_ref[...], preferred_element_type=jnp.float32)
    hw_ref[0] = hw[:, :HH]
    hw_ref[1] = hw[:, HH:]


def _tc_a(emb, wn):
    return pl.pallas_call(
        _tc_a_body,
        out_shape=(jax.ShapeDtypeStruct((N, H), jnp.float32),
                   jax.ShapeDtypeStruct((NC, N, HH), jnp.float32)),
    )(emb, wn)


@functools.partial(
    pl.kernel,
    out_type=(jax.ShapeDtypeStruct((NC * XS_ROWS, H), jnp.float32),
              jax.ShapeDtypeStruct((NC * XS_ROWS, 16), jnp.float32)),
    mesh=_sc_mesh,
    compiler_params=pltpu.CompilerParams(use_tc_tiling_on_sc=False),
    scratch_types=[
        pltpu.VMEM((G, GL), jnp.int32),
        pltpu.VMEM((G, GL), jnp.int32),
        pltpu.VMEM((GL, H), jnp.float32),
        pltpu.VMEM((GL, H), jnp.float32),
        pltpu.VMEM((GL, 16), jnp.float32),
        pltpu.VMEM_SHARED((XS_ROWS, H), jnp.float32),
        pltpu.VMEM_SHARED((XS_ROWS, 16), jnp.float32),
        pltpu.SemaphoreType.DMA,
        pltpu.SemaphoreType.DMA,
    ],
)
def _sc_segsum(h_hbm, rte_hbm, rseg_hbm, zrow_hbm, z16_hbm, ones_hbm,
               xs_out, cnt_out, gidx, sidx, rows0, rows1, onesv, xs_sh, cnt_sh,
               sg0, sg1):
    c = lax.axis_index("c")
    s = lax.axis_index("s")
    wid = s * NC + c
    pltpu.sync_copy(rte_hbm.at[wid], gidx)
    pltpu.sync_copy(rseg_hbm.at[wid], sidx)
    pltpu.sync_copy(ones_hbm, onesv)
    pltpu.sync_copy(zrow_hbm, xs_sh.at[pl.ds(s * ZR_A, ZR_A)])
    pltpu.sync_copy(z16_hbm, cnt_sh.at[pl.ds(s * ZR_A, ZR_A)])
    plsc.subcore_barrier()

    def fire_g(g, rows, sg):
        pltpu.async_copy(h_hbm.at[gidx.at[g]], rows, sg)

    def wait_g(rows, sg):
        pltpu.make_async_copy(h_hbm.at[gidx.at[0]], rows, sg).wait()

    def scatter(g, rows):
        pltpu.sync_copy(rows, xs_sh.at[sidx.at[g]], add=True)
        pltpu.sync_copy(onesv, cnt_sh.at[sidx.at[g]], add=True)

    fire_g(0, rows0, sg0)

    def body(p, carry):
        g0 = 2 * p
        wait_g(rows0, sg0)
        fire_g(g0 + 1, rows1, sg1)
        scatter(g0, rows0)
        wait_g(rows1, sg1)
        fire_g(lax.rem(g0 + 2, G), rows0, sg0)
        scatter(g0 + 1, rows1)
        return carry

    lax.fori_loop(0, G // 2, body, 0)
    wait_g(rows0, sg0)
    scatter(G - 1, rows0)
    plsc.subcore_barrier()
    off = c * XS_ROWS + s * ZR_A
    pltpu.sync_copy(xs_sh.at[pl.ds(s * ZR_A, ZR_A)], xs_out.at[pl.ds(off, ZR_A)])
    pltpu.sync_copy(cnt_sh.at[pl.ds(s * ZR_A, ZR_A)], cnt_out.at[pl.ds(off, ZR_A)])


def _tc_b_body(xs_ref, cnt_ref, er_ref, wih_ref, whh_ref, bih_ref, bhh_ref,
               wn_ref, h0w_ref):
    f32 = jnp.float32
    sums = xs_ref[0:R2, :] + xs_ref[XS_ROWS:XS_ROWS + R2, :]
    cnt = cnt_ref[0:R2, 0:1] + cnt_ref[XS_ROWS:XS_ROWS + R2, 0:1]
    x_mean = sums / jnp.maximum(cnt, 1.0)
    er = er_ref[...]
    wih = wih_ref[...]
    whh = whh_ref[...]
    dims = (((1,), (1,)), ((), ()))
    gi = (lax.dot_general(er, wih[:, :H], dims, preferred_element_type=f32)
          + lax.dot_general(x_mean, wih[:, H:], dims, preferred_element_type=f32)
          + bih_ref[...])
    gh = lax.dot_general(er, whh, dims, preferred_element_type=f32) + bhh_ref[...]
    r = jax.nn.sigmoid(gi[:, :H] + gh[:, :H])
    z = jax.nn.sigmoid(gi[:, H:2 * H] + gh[:, H:2 * H])
    n = jnp.tanh(gi[:, 2 * H:] + r * gh[:, 2 * H:])
    h0 = (1.0 - z) * n + z * er
    nrm = jnp.sqrt(jnp.sum(h0 * h0, axis=1, keepdims=True))
    h0 = h0 / jnp.maximum(nrm, 1e-12)
    h0w = jnp.dot(h0, wn_ref[...], preferred_element_type=f32)
    h0w_ref[0] = h0w[:, :HH]
    h0w_ref[1] = h0w[:, HH:]


def _tc_b(xs, cnt, er, wih, whh, bih, bhh, wn):
    return pl.pallas_call(
        _tc_b_body,
        out_shape=jax.ShapeDtypeStruct((NC, R2, HH), jnp.float32),
    )(xs, cnt, er, wih, whh, bih, bhh, wn)


@functools.partial(
    pl.kernel,
    out_type=(jax.ShapeDtypeStruct((NC * AGG_ROWS, HH), jnp.float32),
              jax.ShapeDtypeStruct((NC * AGG_ROWS, 16), jnp.float32)),
    mesh=_sc_mesh,
    compiler_params=pltpu.CompilerParams(use_tc_tiling_on_sc=False),
    scratch_types=[
        pltpu.VMEM((G2, GL), jnp.int32),
        pltpu.VMEM((G2, GL), jnp.int32),
        pltpu.VMEM((G2, GL), jnp.int32),
        pltpu.VMEM((GL, HH), jnp.float32),
        pltpu.VMEM((GL, HH), jnp.float32),
        pltpu.VMEM((GL, 16), jnp.float32),
        pltpu.VMEM_SHARED((AGG_ROWS, HH), jnp.float32),
        pltpu.VMEM_SHARED((AGG_ROWS, 16), jnp.float32),
        pltpu.SemaphoreType.DMA,
        pltpu.SemaphoreType.DMA,
    ],
)
def _sc_agg(hw_hbm, h0w_hbm, src_hbm, dst_hbm, typ_hbm, zrow_hbm, z16_hbm,
            ones_hbm, agg_out, deg_out, sidx, didx, tidx, rowsa, rowsb, onesv,
            agg_sh, deg_sh, sema, semb):
    c = lax.axis_index("c")
    s = lax.axis_index("s")
    wid = c * NS + s
    pltpu.sync_copy(src_hbm.at[wid], sidx)
    pltpu.sync_copy(dst_hbm.at[s], didx)
    pltpu.sync_copy(typ_hbm.at[wid], tidx)
    pltpu.sync_copy(ones_hbm, onesv)
    pltpu.sync_copy(zrow_hbm, agg_sh.at[pl.ds(s * ZR_B, ZR_B)])
    pltpu.sync_copy(z16_hbm, deg_sh.at[pl.ds(s * ZR_B, ZR_B)])
    plsc.subcore_barrier()

    def body(g, carry):
        cpa = pltpu.async_copy(hw_hbm.at[sidx.at[g]], rowsa, sema)
        cpb = pltpu.async_copy(h0w_hbm.at[tidx.at[g]], rowsb, semb)

        @pl.when((g >= c * GH) & (g < (c + 1) * GH))
        def _():
            pltpu.sync_copy(onesv, deg_sh.at[didx.at[g]], add=True)

        cpa.wait()
        cpb.wait()
        pltpu.sync_copy(rowsa, agg_sh.at[didx.at[g]], add=True)
        pltpu.sync_copy(rowsb, agg_sh.at[didx.at[g]], add=True)
        return carry

    lax.fori_loop(0, G2, body, 0)
    plsc.subcore_barrier()
    off = c * AGG_ROWS + s * ZR_B
    pltpu.sync_copy(agg_sh.at[pl.ds(s * ZR_B, ZR_B)], agg_out.at[pl.ds(off, ZR_B)])
    pltpu.sync_copy(deg_sh.at[pl.ds(s * ZR_B, ZR_B)], deg_out.at[pl.ds(off, ZR_B)])


def _tc_c_body(agg_ref, deg_ref, h_ref, lw_ref, ew_ref, tw_ref, tb_ref, out_ref):
    f32 = jnp.float32
    agg = jnp.concatenate([agg_ref[0], agg_ref[1]], axis=1)
    deg = deg_ref[0, :, 0:1] + deg_ref[1, :, 0:1]
    h = h_ref[...]
    inv = 1.0 / jnp.maximum(deg, 1.0)
    loop_msg = jnp.where(
        deg > 0.0,
        jnp.dot(h, lw_ref[...], preferred_element_type=f32),
        jnp.dot(h, ew_ref[...], preferred_element_type=f32))
    nr = agg * inv + loop_msg
    nr = jnp.where(nr >= 0.0, nr, nr * _SLOPE)
    nrm = jnp.sqrt(jnp.sum(nr * nr, axis=1, keepdims=True))
    cur = nr / jnp.maximum(nrm, 1e-12)
    tw = jax.nn.sigmoid(jnp.dot(h, tw_ref[...], preferred_element_type=f32)
                        + tb_ref[...])
    out_ref[...] = tw * cur + (1.0 - tw) * h


def _tc_c(agg, deg, h, lw, ew, tw, tb):
    rowb = 1000
    return pl.pallas_call(
        _tc_c_body,
        grid=(N // rowb,),
        in_specs=[
            pl.BlockSpec((NC, rowb, HH), lambda i: (0, i, 0)),
            pl.BlockSpec((NC, rowb, 16), lambda i: (0, i, 0)),
            pl.BlockSpec((rowb, H), lambda i: (i, 0)),
            pl.BlockSpec((H, H), lambda i: (0, 0)),
            pl.BlockSpec((H, H), lambda i: (0, 0)),
            pl.BlockSpec((H, H), lambda i: (0, 0)),
            pl.BlockSpec((1, H), lambda i: (0, 0)),
        ],
        out_specs=pl.BlockSpec((rowb, H), lambda i: (i, 0)),
        out_shape=jax.ShapeDtypeStruct((N, H), jnp.float32),
    )(agg, deg, h, lw, ew, tw, tb)


def _pad_edges(a, pad_value):
    pad = jnp.full((E_PAD - E,), pad_value, a.dtype)
    return jnp.concatenate([a, pad])


def kernel(edge_src, edge_dst, edge_type, r_to_e, r_seg, dynamic_emb, emb_rel,
           weight_neighbor, loop_weight, evolve_loop_weight, time_gate_weight,
           time_gate_bias, gru_w_ih, gru_w_hh, gru_b_ih, gru_b_hh):
    f32 = jnp.float32
    ngrp = NC * NS * G
    rte = _pad_edges(r_to_e, 0).reshape(ngrp, GL).T.reshape(NC * NS, G, GL)
    rsg = _pad_edges(r_seg, R2).reshape(ngrp, GL).T.reshape(NC * NS, G, GL)
    src = _pad_edges(edge_src, 0).reshape(NS, G2, GL)
    dst = _pad_edges(edge_dst, N).reshape(NS, G2, GL)
    typ = _pad_edges(edge_type, 0).reshape(NS, G2, GL)
    src2 = jnp.concatenate([src[None], src[None] + N]).reshape(NC * NS, G2, GL)
    typ2 = jnp.concatenate([typ[None], typ[None] + R2]).reshape(NC * NS, G2, GL)

    za_row = jnp.zeros((ZR_A, H), f32)
    za_16 = jnp.zeros((ZR_A, 16), f32)
    zb_row = jnp.zeros((ZR_B, HH), f32)
    zb_16 = jnp.zeros((ZR_B, 16), f32)
    ones = jnp.ones((GL, 16), f32)

    h, hw = _tc_a(dynamic_emb, weight_neighbor)
    xs, cnt = _sc_segsum(h, rte, rsg, za_row, za_16, ones)
    h0w = _tc_b(xs, cnt, emb_rel, gru_w_ih, gru_w_hh,
                gru_b_ih.reshape(1, 3 * H), gru_b_hh.reshape(1, 3 * H),
                weight_neighbor)
    agg, deg = _sc_agg(hw.reshape(NC * N, HH), h0w.reshape(NC * R2, HH),
                       src2, dst, typ2, zb_row, zb_16, ones)
    agg = agg.reshape(NC, AGG_ROWS, HH)
    deg = deg.reshape(NC, AGG_ROWS, 16)
    return _tc_c(agg, deg, h, loop_weight, evolve_loop_weight,
                 time_gate_weight, time_gate_bias.reshape(1, H))

# --- scband reference (transcript-rebuilt; emitter-appended) ---
"""Pipeline reference for scband-recurrent-rgcn-12824772346299 (READ-ONLY COPY).

The authoritative reference and input builder live on the scoring server;
editing this copy changes nothing except your own understanding.
"""

import jax, jax.numpy as jnp
import numpy as np

N = 10000
E = 320000
R2 = 400
H = 128


def _l2norm(x):
    n = jnp.linalg.norm(x, axis=-1, keepdims=True)
    return x / jnp.maximum(n, 1e-12)


def _gru_cell(x, hprev, w_ih, w_hh, b_ih, b_hh):
    gi = x @ w_ih.T + b_ih
    gh = hprev @ w_hh.T + b_hh
    i_r, i_z, i_n = gi[:, :H], gi[:, H:2 * H], gi[:, 2 * H:]
    h_r, h_z, h_n = gh[:, :H], gh[:, H:2 * H], gh[:, 2 * H:]
    r = jax.nn.sigmoid(i_r + h_r)
    z = jax.nn.sigmoid(i_z + h_z)
    n = jnp.tanh(i_n + r * h_n)
    return (1.0 - z) * n + z * hprev


def setup_inputs(seed: int = 0):
    key = jax.random.key(seed)
    ks = jax.random.split(key, 16)
    f = jnp.float32
    s = 1.0 / np.sqrt(H)
    return {
        'edge_src': jax.random.randint(ks[0], (E,), 0, N, dtype=jnp.int32),
        'edge_dst': jax.random.randint(ks[1], (E,), 0, N, dtype=jnp.int32),
        'edge_type': jax.random.randint(ks[2], (E,), 0, R2, dtype=jnp.int32),
        'r_to_e': jax.random.randint(ks[3], (E,), 0, N, dtype=jnp.int32),
        'r_seg': jnp.sort(jax.random.randint(ks[4], (E,), 0, R2, dtype=jnp.int32)),
        'dynamic_emb': jax.random.normal(ks[5], (N, H), dtype=f),
        'emb_rel': jax.random.normal(ks[6], (R2, H), dtype=f) * s,
        'weight_neighbor': jax.random.normal(ks[7], (H, H), dtype=f) * s,
        'loop_weight': jax.random.normal(ks[8], (H, H), dtype=f) * s,
        'evolve_loop_weight': jax.random.normal(ks[9], (H, H), dtype=f) * s,
        'time_gate_weight': jax.random.normal(ks[10], (H, H), dtype=f) * s,
        'time_gate_bias': jnp.zeros((H,), dtype=f),
        'gru_w_ih': jax.random.normal(ks[11], (3 * H, 2 * H), dtype=f) * s,
        'gru_w_hh': jax.random.normal(ks[12], (3 * H, H), dtype=f) * s,
        'gru_b_ih': jnp.zeros((3 * H,), dtype=f),
        'gru_b_hh': jnp.zeros((3 * H,), dtype=f),
    }


def reference(edge_src, edge_dst, edge_type, r_to_e, r_seg, dynamic_emb, emb_rel,
              weight_neighbor, loop_weight, evolve_loop_weight, time_gate_weight,
              time_gate_bias, gru_w_ih, gru_w_hh, gru_b_ih, gru_b_hh):
    # self.h = F.normalize(self.dynamic_emb)  (layer_norm=True, use_static=False)
    h = _l2norm(dynamic_emb)
    # per-relation mean of gathered entity embeddings (r_to_e / r_len spans -> segment mean)
    temp_e = h[r_to_e]
    sums = jax.ops.segment_sum(temp_e, r_seg, num_segments=R2)
    cnts = jax.ops.segment_sum(jnp.ones((E,), temp_e.dtype), r_seg, num_segments=R2)
    x_mean = sums / jnp.maximum(cnts, 1.0)[:, None]
    # i == 0 branch: x_input = cat(emb_rel, x_mean); h_0 = GRUCell(x_input, emb_rel)
    x_input = jnp.concatenate([emb_rel, x_mean], axis=1)
    h0 = _l2norm(_gru_cell(x_input, emb_rel, gru_w_ih, gru_w_hh, gru_b_ih, gru_b_hh))
    # UnionRGCNLayer (convgcn): msg = (h[src] + rel_emb[etype]) @ W_neighbor, sum to dst, * 1/in_deg
    deg = jax.ops.segment_sum(jnp.ones((E,), h.dtype), edge_dst, num_segments=N)
    norm = 1.0 / jnp.maximum(deg, 1.0)
    msg = (h[edge_src] + h0[edge_type]) @ weight_neighbor
    agg = jnp.zeros((N, H), h.dtype).at[edge_dst].add(msg)
    node_repr = agg * norm[:, None]
    # self-loop: nodes with in-degree > 0 use loop_weight, else evolve_loop_weight
    loop_msg = jnp.where((deg > 0)[:, None], h @ loop_weight, h @ evolve_loop_weight)
    node_repr = node_repr + loop_msg
    # F.rrelu in eval mode == leaky relu with slope (1/8 + 1/3) / 2
    slope = (1.0 / 8.0 + 1.0 / 3.0) / 2.0
    node_repr = jnp.where(node_repr >= 0, node_repr, node_repr * slope)
    current_h = _l2norm(node_repr)
    # time gate: h = sigmoid(h @ W_t + b_t) * current_h + (1 - .) * h
    tw = jax.nn.sigmoid(h @ time_gate_weight + time_gate_bias)
    h_new = tw * current_h + (1.0 - tw) * h
    return h_new

if __name__ == "__main__":
    import jax
    _d = setup_inputs()
    print(jax.jit(kernel)(*tuple(_d.values())))

</pallas_src>

<mosaic_0001>
#map = affine_map<(d0, d1) -> (0, 0)>
#map1 = affine_map<(d0, d1) -> (0, 0, 0)>
module attributes {stable_mosaic.version = 14 : i64} {
  func.func @_sc_segsum(%arg0: i32, %arg1: i32, %arg2: memref<10000x128xf32, #tpu.memory_space<hbm>>, %arg3: memref<32x79x128xi32, #tpu.memory_space<hbm>>, %arg4: memref<32x79x128xi32, #tpu.memory_space<hbm>>, %arg5: memref<32x128xf32, #tpu.memory_space<hbm>>, %arg6: memref<32x16xf32, #tpu.memory_space<hbm>>, %arg7: memref<128x16xf32, #tpu.memory_space<hbm>>, %arg8: memref<1024x128xf32, #tpu.memory_space<hbm>>, %arg9: memref<1024x16xf32, #tpu.memory_space<hbm>>, %arg10: memref<79x128xi32, #tpu.memory_space<vmem>>, %arg11: memref<79x128xi32, #tpu.memory_space<vmem>>, %arg12: memref<128x128xf32, #tpu.memory_space<vmem>>, %arg13: memref<128x128xf32, #tpu.memory_space<vmem>>, %arg14: memref<128x16xf32, #tpu.memory_space<vmem>>, %arg15: memref<512x128xf32, #tpu.memory_space<vmem_shared>>, %arg16: memref<512x16xf32, #tpu.memory_space<vmem_shared>>, %arg17: memref<!tpu.dma_semaphore, #tpu.memory_space<semaphore_mem>>, %arg18: memref<!tpu.dma_semaphore, #tpu.memory_space<semaphore_mem>>) attributes {dimension_semantics = [#tpu.dimension_semantics<core_parallel>, #tpu.dimension_semantics<subcore_parallel>], iteration_bounds = array<i64: 2, 16>, scalar_prefetch = 0 : i64, scratch_operands = 9 : i64, tpu.core_type = #tpu.core_type<sc_vector_subcore>, window_params = [{transform_indices = #map}, {transform_indices = #map1}, {transform_indices = #map1}, {transform_indices = #map}, {transform_indices = #map}, {transform_indices = #map}, {transform_indices = #map}, {transform_indices = #map}]} {
    %mul3A = arith.constant 2 : i32
    %mul3A_0 = arith.muli %arg1, %mul3A : i32
    %add3A = arith.addi %mul3A_0, %arg0 : i32
    "tpu.region"() ({
      %run_scoped3A_33 = tpu.sem_alloc : memref<!tpu.dma_semaphore, #tpu.memory_space<semaphore_mem>>
      %dma_start3A_34 = arith.constant 0 : i32
      %dma_start3A_35 = arith.constant 0 : i32
      %dma_start3A_36 = tpu.memref_slice %arg3[%add3A, %dma_start3A_34, %dma_start3A_35] : memref<32x79x128xi32, #tpu.memory_space<hbm>> -> memref<1x79x128xi32, #tpu.memory_space<hbm>>
      %dma_start3A_37 = tpu.memref_squeeze %dma_start3A_36 : memref<1x79x128xi32, #tpu.memory_space<hbm>> -> memref<79x128xi32, #tpu.memory_space<hbm>>
      %dma_start3A_38 = arith.constant 0 : i32
      %dma_start3A_39 = arith.constant 0 : i32
      %dma_start3A_40 = tpu.memref_slice %arg3[%add3A, %dma_start3A_38, %dma_start3A_39] : memref<32x79x128xi32, #tpu.memory_space<hbm>> -> memref<1x79x128xi32, #tpu.memory_space<hbm>>
      %dma_start3A_41 = tpu.memref_squeeze %dma_start3A_40 : memref<1x79x128xi32, #tpu.memory_space<hbm>> -> memref<79x128xi32, #tpu.memory_space<hbm>>
      tpu.enqueue_dma source(%dma_start3A_41 : memref<79x128xi32, #tpu.memory_space<hbm>>) target(%arg10 : memref<79x128xi32, #tpu.memory_space<vmem>>) target_semaphore(%run_scoped3A_33 : memref<!tpu.dma_semaphore, #tpu.memory_space<semaphore_mem>>)
      %dma_wait3A_42 = arith.constant 0 : i32
      %dma_wait3A_43 = arith.constant 0 : i32
      %dma_wait3A_44 = tpu.memref_slice %arg3[%add3A, %dma_wait3A_42, %dma_wait3A_43] : memref<32x79x128xi32, #tpu.memory_space<hbm>> -> memref<1x79x128xi32, #tpu.memory_space<hbm>>
      %dma_wait3A_45 = tpu.memref_squeeze %dma_wait3A_44 : memref<1x79x128xi32, #tpu.memory_space<hbm>> -> memref<79x128xi32, #tpu.memory_space<hbm>>
      %dma_wait3A_46 = arith.constant 0 : i32
      %dma_wait3A_47 = arith.constant 0 : i32
      %dma_wait3A_48 = tpu.memref_slice %arg3[%add3A, %dma_wait3A_46, %dma_wait3A_47] : memref<32x79x128xi32, #tpu.memory_space<hbm>> -> memref<1x79x128xi32, #tpu.memory_space<hbm>>
      %dma_wait3A_49 = tpu.memref_squeeze %dma_wait3A_48 : memref<1x79x128xi32, #tpu.memory_space<hbm>> -> memref<79x128xi32, #tpu.memory_space<hbm>>
      tpu.wait_dma2 semaphore(%run_scoped3A_33 : memref<!tpu.dma_semaphore, #tpu.memory_space<semaphore_mem>>) src(%dma_wait3A_49 : memref<79x128xi32, #tpu.memory_space<hbm>>) dst(%arg10 : memref<79x128xi32, #tpu.memory_space<vmem>>)
      tpu.yield
    }) : () -> ()
    "tpu.region"() ({
      %run_scoped3A_33 = tpu.sem_alloc : memref<!tpu.dma_semaphore, #tpu.memory_space<semaphore_mem>>
      %dma_start3A_34 = arith.constant 0 : i32
      %dma_start3A_35 = arith.constant 0 : i32
      %dma_start3A_36 = tpu.memref_slice %arg4[%add3A, %dma_start3A_34, %dma_start3A_35] : memref<32x79x128xi32, #tpu.memory_space<hbm>> -> memref<1x79x128xi32, #tpu.memory_space<hbm>>
      %dma_start3A_37 = tpu.memref_squeeze %dma_start3A_36 : memref<1x79x128xi32, #tpu.memory_space<hbm>> -> memref<79x128xi32, #tpu.memory_space<hbm>>
      %dma_start3A_38 = arith.constant 0 : i32
      %dma_start3A_39 = arith.constant 0 : i32
      %dma_start3A_40 = tpu.memref_slice %arg4[%add3A, %dma_start3A_38, %dma_start3A_39] : memref<32x79x128xi32, #tpu.memory_space<hbm>> -> memref<1x79x128xi32, #tpu.memory_space<hbm>>
      %dma_start3A_41 = tpu.memref_squeeze %dma_start3A_40 : memref<1x79x128xi32, #tpu.memory_space<hbm>> -> memref<79x128xi32, #tpu.memory_space<hbm>>
      tpu.enqueue_dma source(%dma_start3A_41 : memref<79x128xi32, #tpu.memory_space<hbm>>) target(%arg11 : memref<79x128xi32, #tpu.memory_space<vmem>>) target_semaphore(%run_scoped3A_33 : memref<!tpu.dma_semaphore, #tpu.memory_space<semaphore_mem>>)
      %dma_wait3A_42 = arith.constant 0 : i32
      %dma_wait3A_43 = arith.constant 0 : i32
      %dma_wait3A_44 = tpu.memref_slice %arg4[%add3A, %dma_wait3A_42, %dma_wait3A_43] : memref<32x79x128xi32, #tpu.memory_space<hbm>> -> memref<1x79x128xi32, #tpu.memory_space<hbm>>
      %dma_wait3A_45 = tpu.memref_squeeze %dma_wait3A_44 : memref<1x79x128xi32, #tpu.memory_space<hbm>> -> memref<79x128xi32, #tpu.memory_space<hbm>>
      %dma_wait3A_46 = arith.constant 0 : i32
      %dma_wait3A_47 = arith.constant 0 : i32
      %dma_wait3A_48 = tpu.memref_slice %arg4[%add3A, %dma_wait3A_46, %dma_wait3A_47] : memref<32x79x128xi32, #tpu.memory_space<hbm>> -> memref<1x79x128xi32, #tpu.memory_space<hbm>>
      %dma_wait3A_49 = tpu.memref_squeeze %dma_wait3A_48 : memref<1x79x128xi32, #tpu.memory_space<hbm>> -> memref<79x128xi32, #tpu.memory_space<hbm>>
      tpu.wait_dma2 semaphore(%run_scoped3A_33 : memref<!tpu.dma_semaphore, #tpu.memory_space<semaphore_mem>>) src(%dma_wait3A_49 : memref<79x128xi32, #tpu.memory_space<hbm>>) dst(%arg11 : memref<79x128xi32, #tpu.memory_space<vmem>>)
      tpu.yield
    }) : () -> ()
    "tpu.region"() ({
      %run_scoped3A_33 = tpu.sem_alloc : memref<!tpu.dma_semaphore, #tpu.memory_space<semaphore_mem>>
      tpu.enqueue_dma source(%arg7 : memref<128x16xf32, #tpu.memory_space<hbm>>) target(%arg14 : memref<128x16xf32, #tpu.memory_space<vmem>>) target_semaphore(%run_scoped3A_33 : memref<!tpu.dma_semaphore, #tpu.memory_space<semaphore_mem>>)
      tpu.wait_dma2 semaphore(%run_scoped3A_33 : memref<!tpu.dma_semaphore, #tpu.memory_space<semaphore_mem>>) src(%arg7 : memref<128x16xf32, #tpu.memory_space<hbm>>) dst(%arg14 : memref<128x16xf32, #tpu.memory_space<vmem>>)
      tpu.yield
    }) : () -> ()
    %mul3A_1 = arith.constant 32 : i32
    %mul3A_2 = arith.muli %arg1, %mul3A_1 : i32
    "tpu.region"() ({
      %run_scoped3A_33 = tpu.sem_alloc : memref<!tpu.dma_semaphore, #tpu.memory_space<semaphore_mem>>
      %dma_start3A_34 = arith.constant 0 : i32
      %dma_start3A_35 = tpu.memref_slice %arg15[%mul3A_2, %dma_start3A_34] : memref<512x128xf32, #tpu.memory_space<vmem_shared>> -> memref<32x128xf32, #tpu.memory_space<vmem_shared>>
      tpu.enqueue_dma source(%arg5 : memref<32x128xf32, #tpu.memory_space<hbm>>) target(%dma_start3A_35 : memref<32x128xf32, #tpu.memory_space<vmem_shared>>) target_semaphore(%run_scoped3A_33 : memref<!tpu.dma_semaphore, #tpu.memory_space<semaphore_mem>>)
      %dma_wait3A_36 = arith.constant 0 : i32
      %dma_wait3A_37 = tpu.memref_slice %arg15[%mul3A_2, %dma_wait3A_36] : memref<512x128xf32, #tpu.memory_space<vmem_shared>> -> memref<32x128xf32, #tpu.memory_space<vmem_shared>>
      tpu.wait_dma2 semaphore(%run_scoped3A_33 : memref<!tpu.dma_semaphore, #tpu.memory_space<semaphore_mem>>) src(%arg5 : memref<32x128xf32, #tpu.memory_space<hbm>>) dst(%dma_wait3A_37 : memref<32x128xf32, #tpu.memory_space<vmem_shared>>)
      tpu.yield
    }) : () -> ()
    %mul3A_3 = arith.constant 32 : i32
    %mul3A_4 = arith.muli %arg1, %mul3A_3 : i32
    "tpu.region"() ({
      %run_scoped3A_33 = tpu.sem_alloc : memref<!tpu.dma_semaphore, #tpu.memory_space<semaphore_mem>>
      %dma_start3A_34 = arith.constant 0 : i32
      %dma_start3A_35 = tpu.memref_slice %arg16[%mul3A_4, %dma_start3A_34] : memref<512x16xf32, #tpu.memory_space<vmem_shared>> -> memref<32x16xf32, #tpu.memory_space<vmem_shared>>
      tpu.enqueue_dma source(%arg6 : memref<32x16xf32, #tpu.memory_space<hbm>>) target(%dma_start3A_35 : memref<32x16xf32, #tpu.memory_space<vmem_shared>>) target_semaphore(%run_scoped3A_33 : memref<!tpu.dma_semaphore, #tpu.memory_space<semaphore_mem>>)
      %dma_wait3A_36 = arith.constant 0 : i32
      %dma_wait3A_37 = tpu.memref_slice %arg16[%mul3A_4, %dma_wait3A_36] : memref<512x16xf32, #tpu.memory_space<vmem_shared>> -> memref<32x16xf32, #tpu.memory_space<vmem_shared>>
      tpu.wait_dma2 semaphore(%run_scoped3A_33 : memref<!tpu.dma_semaphore, #tpu.memory_space<semaphore_mem>>) src(%arg6 : memref<32x16xf32, #tpu.memory_space<hbm>>) dst(%dma_wait3A_37 : memref<32x16xf32, #tpu.memory_space<vmem_shared>>)
      tpu.yield
    }) : () -> ()
    %barrier3A = arith.constant 0 : index
    tpu.barrier barrier_id(%barrier3A)
    %dma_start3A = arith.constant 0 : i32
    %dma_start3A_5 = arith.constant 0 : i32
    %dma_start3A_6 = tpu.memref_slice %arg10[%dma_start3A, %dma_start3A_5] : memref<79x128xi32, #tpu.memory_space<vmem>> -> memref<1x128xi32, #tpu.memory_space<vmem>>
    %dma_start3A_7 = tpu.memref_squeeze %dma_start3A_6 : memref<1x128xi32, #tpu.memory_space<vmem>> -> memref<128xi32, #tpu.memory_space<vmem>>
    %dma_start3A_8 = arith.constant 0 : i32
    %dma_start3A_9 = arith.constant 0 : i32
    %dma_start3A_10 = tpu.memref_slice %arg2[%dma_start3A_8, %dma_start3A_9] : memref<10000x128xf32, #tpu.memory_space<hbm>> -> memref<10000x128xf32, #tpu.memory_space<hbm>>
    tpu.enqueue_indirect_dma source(%dma_start3A_10 : memref<10000x128xf32, #tpu.memory_space<hbm>>) target(%arg12 : memref<128x128xf32, #tpu.memory_space<vmem>>) offsets(%dma_start3A_7 : memref<128xi32, #tpu.memory_space<vmem>>) semaphore(%arg17 : memref<!tpu.dma_semaphore, #tpu.memory_space<semaphore_mem>>)
    %scan3A = arith.constant 0 : i32
    %scan3A_11 = arith.constant 0 : i32
    %scan3A_12 = arith.constant 39 : i32
    %scan3A_13 = arith.addi %scan3A_11, %scan3A_12 : i32
    %scan3A_14 = arith.constant 1 : i32
    scf.for %scan3A_33 = %scan3A_11 to %scan3A_13 step %scan3A_14  : i32 {
      %mul3A_34 = arith.constant 2 : i32
      %mul3A_35 = arith.muli %mul3A_34, %scan3A_33 : i32
      %dma_wait3A_36 = arith.constant 0 : i32
      %dma_wait3A_37 = arith.constant 0 : i32
      %dma_wait3A_38 = tpu.memref_slice %arg10[%dma_wait3A_36, %dma_wait3A_37] : memref<79x128xi32, #tpu.memory_space<vmem>> -> memref<1x128xi32, #tpu.memory_space<vmem>>
      %dma_wait3A_39 = tpu.memref_squeeze %dma_wait3A_38 : memref<1x128xi32, #tpu.memory_space<vmem>> -> memref<128xi32, #tpu.memory_space<vmem>>
      %dma_wait3A_40 = arith.constant 0 : i32
      %dma_wait3A_41 = arith.constant 0 : i32
      %dma_wait3A_42 = tpu.memref_slice %arg2[%dma_wait3A_40, %dma_wait3A_41] : memref<10000x128xf32, #tpu.memory_space<hbm>> -> memref<10000x128xf32, #tpu.memory_space<hbm>>
      tpu.wait_indirect_dma semaphore(%arg17 : memref<!tpu.dma_semaphore, #tpu.memory_space<semaphore_mem>>) src(%dma_wait3A_42 : memref<10000x128xf32, #tpu.memory_space<hbm>>) dst(%arg12 : memref<128x128xf32, #tpu.memory_space<vmem>>)
      %add3A_43 = arith.constant 1 : i32
      %add3A_44 = arith.addi %mul3A_35, %add3A_43 : i32
      %dma_start3A_45 = arith.constant 0 : i32
      %dma_start3A_46 = tpu.memref_slice %arg10[%add3A_44, %dma_start3A_45] : memref<79x128xi32, #tpu.memory_space<vmem>> -> memref<1x128xi32, #tpu.memory_space<vmem>>
      %dma_start3A_47 = tpu.memref_squeeze %dma_start3A_46 : memref<1x128xi32, #tpu.memory_space<vmem>> -> memref<128xi32, #tpu.memory_space<vmem>>
      %dma_start3A_48 = arith.constant 0 : i32
      %dma_start3A_49 = arith.constant 0 : i32
      %dma_start3A_50 = tpu.memref_slice %arg2[%dma_start3A_48, %dma_start3A_49] : memref<10000x128xf32, #tpu.memory_space<hbm>> -> memref<10000x128xf32, #tpu.memory_space<hbm>>
      tpu.enqueue_indirect_dma source(%dma_start3A_50 : memref<10000x128xf32, #tpu.memory_space<hbm>>) target(%arg13 : memref<128x128xf32, #tpu.memory_space<vmem>>) offsets(%dma_start3A_47 : memref<128xi32, #tpu.memory_space<vmem>>) semaphore(%arg18 : memref<!tpu.dma_semaphore, #tpu.memory_space<semaphore_mem>>)
      "tpu.region"() ({
        %run_scoped3A_69 = tpu.sem_alloc : memref<!tpu.dma_semaphore, #tpu.memory_space<semaphore_mem>>
        %dma_start3A_70 = arith.constant 0 : i32
        %dma_start3A_71 = tpu.memref_slice %arg11[%mul3A_35, %dma_start3A_70] : memref<79x128xi32, #tpu.memory_space<vmem>> -> memref<1x128xi32, #tpu.memory_space<vmem>>
        %dma_start3A_72 = tpu.memref_squeeze %dma_start3A_71 : memref<1x128xi32, #tpu.memory_space<vmem>> -> memref<128xi32, #tpu.memory_space<vmem>>
        %dma_start3A_73 = arith.constant 0 : i32
        %dma_start3A_74 = arith.constant 0 : i32
        %dma_start3A_75 = tpu.memref_slice %arg15[%dma_start3A_73, %dma_start3A_74] : memref<512x128xf32, #tpu.memory_space<vmem_shared>> -> memref<512x128xf32, #tpu.memory_space<vmem_shared>>
        tpu.enqueue_indirect_dma source(%arg12 : memref<128x128xf32, #tpu.memory_space<vmem>>) target(%dma_start3A_75 : memref<512x128xf32, #tpu.memory_space<vmem_shared>>) offsets(%dma_start3A_72 : memref<128xi32, #tpu.memory_space<vmem>>) semaphore(%run_scoped3A_69 : memref<!tpu.dma_semaphore, #tpu.memory_space<semaphore_mem>>) {add = true}
        %dma_wait3A_76 = arith.constant 0 : i32
        %dma_wait3A_77 = tpu.memref_slice %arg11[%mul3A_35, %dma_wait3A_76] : memref<79x128xi32, #tpu.memory_space<vmem>> -> memref<1x128xi32, #tpu.memory_space<vmem>>
        %dma_wait3A_78 = tpu.memref_squeeze %dma_wait3A_77 : memref<1x128xi32, #tpu.memory_space<vmem>> -> memref<128xi32, #tpu.memory_space<vmem>>
        %dma_wait3A_79 = arith.constant 0 : i32
        %dma_wait3A_80 = arith.constant 0 : i32
        %dma_wait3A_81 = tpu.memref_slice %arg15[%dma_wait3A_79, %dma_wait3A_80] : memref<512x128xf32, #tpu.memory_space<vmem_shared>> -> memref<512x128xf32, #tpu.memory_space<vmem_shared>>
        tpu.wait_indirect_dma semaphore(%run_scoped3A_69 : memref<!tpu.dma_semaphore, #tpu.memory_space<semaphore_mem>>) src(%arg12 : memref<128x128xf32, #tpu.memory_space<vmem>>) dst(%dma_wait3A_81 : memref<512x128xf32, #tpu.memory_space<vmem_shared>>)
        tpu.yield
      }) : () -> ()
      "tpu.region"() ({
        %run_scoped3A_69 = tpu.sem_alloc : memref<!tpu.dma_semaphore, #tpu.memory_space<semaphore_mem>>
        %dma_start3A_70 = arith.constant 0 : i32
        %dma_start3A_71 = tpu.memref_slice %arg11[%mul3A_35, %dma_start3A_70] : memref<79x128xi32, #tpu.memory_space<vmem>> -> memref<1x128xi32, #tpu.memory_space<vmem>>
        %dma_start3A_72 = tpu.memref_squeeze %dma_start3A_71 : memref<1x128xi32, #tpu.memory_space<vmem>> -> memref<128xi32, #tpu.memory_space<vmem>>
        %dma_start3A_73 = arith.constant 0 : i32
        %dma_start3A_74 = arith.constant 0 : i32
        %dma_start3A_75 = tpu.memref_slice %arg16[%dma_start3A_73, %dma_start3A_74] : memref<512x16xf32, #tpu.memory_space<vmem_shared>> -> memref<512x16xf32, #tpu.memory_space<vmem_shared>>
        tpu.enqueue_indirect_dma source(%arg14 : memref<128x16xf32, #tpu.memory_space<vmem>>) target(%dma_start3A_75 : memref<512x16xf32, #tpu.memory_space<vmem_shared>>) offsets(%dma_start3A_72 : memref<128xi32, #tpu.memory_space<vmem>>) semaphore(%run_scoped3A_69 : memref<!tpu.dma_semaphore, #tpu.memory_space<semaphore_mem>>) {add = true}
        %dma_wait3A_76 = arith.constant 0 : i32
        %dma_wait3A_77 = tpu.memref_slice %arg11[%mul3A_35, %dma_wait3A_76] : memref<79x128xi32, #tpu.memory_space<vmem>> -> memref<1x128xi32, #tpu.memory_space<vmem>>
        %dma_wait3A_78 = tpu.memref_squeeze %dma_wait3A_77 : memref<1x128xi32, #tpu.memory_space<vmem>> -> memref<128xi32, #tpu.memory_space<vmem>>
        %dma_wait3A_79 = arith.constant 0 : i32
        %dma_wait3A_80 = arith.constant 0 : i32
        %dma_wait3A_81 = tpu.memref_slice %arg16[%dma_wait3A_79, %dma_wait3A_80] : memref<512x16xf32, #tpu.memory_space<vmem_shared>> -> memref<512x16xf32, #tpu.memory_space<vmem_shared>>
        tpu.wait_indirect_dma semaphore(%run_scoped3A_69 : memref<!tpu.dma_semaphore, #tpu.memory_space<semaphore_mem>>) src(%arg14 : memref<128x16xf32, #tpu.memory_space<vmem>>) dst(%dma_wait3A_81 : memref<512x16xf32, #tpu.memory_space<vmem_shared>>)
        tpu.yield
      }) : () -> ()
      %dma_wait3A_51 = arith.constant 0 : i32
      %dma_wait3A_52 = arith.constant 0 : i32
      %dma_wait3A_53 = tpu.memref_slice %arg10[%dma_wait3A_51, %dma_wait3A_52] : memref<79x128xi32, #tpu.memory_space<vmem>> -> memref<1x128xi32, #tpu.memory_space<vmem>>
      %dma_wait3A_54 = tpu.memref_squeeze %dma_wait3A_53 : memref<1x128xi32, #tpu.memory_space<vmem>> -> memref<128xi32, #tpu.memory_space<vmem>>
      %dma_wait3A_55 = arith.constant 0 : i32
      %dma_wait3A_56 = arith.constant 0 : i32
      %dma_wait3A_57 = tpu.memref_slice %arg2[%dma_wait3A_55, %dma_wait3A_56] : memref<10000x128xf32, #tpu.memory_space<hbm>> -> memref<10000x128xf32, #tpu.memory_space<hbm>>
      tpu.wait_indirect_dma semaphore(%arg18 : memref<!tpu.dma_semaphore, #tpu.memory_space<semaphore_mem>>) src(%dma_wait3A_57 : memref<10000x128xf32, #tpu.memory_space<hbm>>) dst(%arg13 : memref<128x128xf32, #tpu.memory_space<vmem>>)
      %add3A_58 = arith.constant 2 : i32
      %add3A_59 = arith.addi %mul3A_35, %add3A_58 : i32
      %rem3A = arith.constant 79 : i32
      %rem3A_60 = arith.remsi %add3A_59, %rem3A : i32
      %dma_start3A_61 = arith.constant 0 : i32
      %dma_start3A_62 = tpu.memref_slice %arg10[%rem3A_60, %dma_start3A_61] : memref<79x128xi32, #tpu.memory_space<vmem>> -> memref<1x128xi32, #tpu.memory_space<vmem>>
      %dma_start3A_63 = tpu.memref_squeeze %dma_start3A_62 : memref<1x128xi32, #tpu.memory_space<vmem>> -> memref<128xi32, #tpu.memory_space<vmem>>
      %dma_start3A_64 = arith.constant 0 : i32
      %dma_start3A_65 = arith.constant 0 : i32
      %dma_start3A_66 = tpu.memref_slice %arg2[%dma_start3A_64, %dma_start3A_65] : memref<10000x128xf32, #tpu.memory_space<hbm>> -> memref<10000x128xf32, #tpu.memory_space<hbm>>
      tpu.enqueue_indirect_dma source(%dma_start3A_66 : memref<10000x128xf32, #tpu.memory_space<hbm>>) target(%arg12 : memref<128x128xf32, #tpu.memory_space<vmem>>) offsets(%dma_start3A_63 : memref<128xi32, #tpu.memory_space<vmem>>) semaphore(%arg17 : memref<!tpu.dma_semaphore, #tpu.memory_space<semaphore_mem>>)
      %add3A_67 = arith.constant 1 : i32
      %add3A_68 = arith.addi %mul3A_35, %add3A_67 : i32
      "tpu.region"() ({
        %run_scoped3A_69 = tpu.sem_alloc : memref<!tpu.dma_semaphore, #tpu.memory_space<semaphore_mem>>
        %dma_start3A_70 = arith.constant 0 : i32
        %dma_start3A_71 = tpu.memref_slice %arg11[%add3A_68, %dma_start3A_70] : memref<79x128xi32, #tpu.memory_space<vmem>> -> memref<1x128xi32, #tpu.memory_space<vmem>>
        %dma_start3A_72 = tpu.memref_squeeze %dma_start3A_71 : memref<1x128xi32, #tpu.memory_space<vmem>> -> memref<128xi32, #tpu.memory_space<vmem>>
        %dma_start3A_73 = arith.constant 0 : i32
        %dma_start3A_74 = arith.constant 0 : i32
        %dma_start3A_75 = tpu.memref_slice %arg15[%dma_start3A_73, %dma_start3A_74] : memref<512x128xf32, #tpu.memory_space<vmem_shared>> -> memref<512x128xf32, #tpu.memory_space<vmem_shared>>
        tpu.enqueue_indirect_dma source(%arg13 : memref<128x128xf32, #tpu.memory_space<vmem>>) target(%dma_start3A_75 : memref<512x128xf32, #tpu.memory_space<vmem_shared>>) offsets(%dma_start3A_72 : memref<128xi32, #tpu.memory_space<vmem>>) semaphore(%run_scoped3A_69 : memref<!tpu.dma_semaphore, #tpu.memory_space<semaphore_mem>>) {add = true}
        %dma_wait3A_76 = arith.constant 0 : i32
        %dma_wait3A_77 = tpu.memref_slice %arg11[%add3A_68, %dma_wait3A_76] : memref<79x128xi32, #tpu.memory_space<vmem>> -> memref<1x128xi32, #tpu.memory_space<vmem>>
        %dma_wait3A_78 = tpu.memref_squeeze %dma_wait3A_77 : memref<1x128xi32, #tpu.memory_space<vmem>> -> memref<128xi32, #tpu.memory_space<vmem>>
        %dma_wait3A_79 = arith.constant 0 : i32
        %dma_wait3A_80 = arith.constant 0 : i32
        %dma_wait3A_81 = tpu.memref_slice %arg15[%dma_wait3A_79, %dma_wait3A_80] : memref<512x128xf32, #tpu.memory_space<vmem_shared>> -> memref<512x128xf32, #tpu.memory_space<vmem_shared>>
        tpu.wait_indirect_dma semaphore(%run_scoped3A_69 : memref<!tpu.dma_semaphore, #tpu.memory_space<semaphore_mem>>) src(%arg13 : memref<128x128xf32, #tpu.memory_space<vmem>>) dst(%dma_wait3A_81 : memref<512x128xf32, #tpu.memory_space<vmem_shared>>)
        tpu.yield
      }) : () -> ()
      "tpu.region"() ({
        %run_scoped3A_69 = tpu.sem_alloc : memref<!tpu.dma_semaphore, #tpu.memory_space<semaphore_mem>>
        %dma_start3A_70 = arith.constant 0 : i32
        %dma_start3A_71 = tpu.memref_slice %arg11[%add3A_68, %dma_start3A_70] : memref<79x128xi32, #tpu.memory_space<vmem>> -> memref<1x128xi32, #tpu.memory_space<vmem>>
        %dma_start3A_72 = tpu.memref_squeeze %dma_start3A_71 : memref<1x128xi32, #tpu.memory_space<vmem>> -> memref<128xi32, #tpu.memory_space<vmem>>
        %dma_start3A_73 = arith.constant 0 : i32
        %dma_start3A_74 = arith.constant 0 : i32
        %dma_start3A_75 = tpu.memref_slice %arg16[%dma_start3A_73, %dma_start3A_74] : memref<512x16xf32, #tpu.memory_space<vmem_shared>> -> memref<512x16xf32, #tpu.memory_space<vmem_shared>>
        tpu.enqueue_indirect_dma source(%arg14 : memref<128x16xf32, #tpu.memory_space<vmem>>) target(%dma_start3A_75 : memref<512x16xf32, #tpu.memory_space<vmem_shared>>) offsets(%dma_start3A_72 : memref<128xi32, #tpu.memory_space<vmem>>) semaphore(%run_scoped3A_69 : memref<!tpu.dma_semaphore, #tpu.memory_space<semaphore_mem>>) {add = true}
        %dma_wait3A_76 = arith.constant 0 : i32
        %dma_wait3A_77 = tpu.memref_slice %arg11[%add3A_68, %dma_wait3A_76] : memref<79x128xi32, #tpu.memory_space<vmem>> -> memref<1x128xi32, #tpu.memory_space<vmem>>
        %dma_wait3A_78 = tpu.memref_squeeze %dma_wait3A_77 : memref<1x128xi32, #tpu.memory_space<vmem>> -> memref<128xi32, #tpu.memory_space<vmem>>
        %dma_wait3A_79 = arith.constant 0 : i32
        %dma_wait3A_80 = arith.constant 0 : i32
        %dma_wait3A_81 = tpu.memref_slice %arg16[%dma_wait3A_79, %dma_wait3A_80] : memref<512x16xf32, #tpu.memory_space<vmem_shared>> -> memref<512x16xf32, #tpu.memory_space<vmem_shared>>
        tpu.wait_indirect_dma semaphore(%run_scoped3A_69 : memref<!tpu.dma_semaphore, #tpu.memory_space<semaphore_mem>>) src(%arg14 : memref<128x16xf32, #tpu.memory_space<vmem>>) dst(%dma_wait3A_81 : memref<512x16xf32, #tpu.memory_space<vmem_shared>>)
        tpu.yield
      }) : () -> ()
    }
    %scan3A_15 = arith.constant 39 : i32
    %dma_wait3A = arith.constant 0 : i32
    %dma_wait3A_16 = arith.constant 0 : i32
    %dma_wait3A_17 = tpu.memref_slice %arg10[%dma_wait3A, %dma_wait3A_16] : memref<79x128xi32, #tpu.memory_space<vmem>> -> memref<1x128xi32, #tpu.memory_space<vmem>>
    %dma_wait3A_18 = tpu.memref_squeeze %dma_wait3A_17 : memref<1x128xi32, #tpu.memory_space<vmem>> -> memref<128xi32, #tpu.memory_space<vmem>>
    %dma_wait3A_19 = arith.constant 0 : i32
    %dma_wait3A_20 = arith.constant 0 : i32
    %dma_wait3A_21 = tpu.memref_slice %arg2[%dma_wait3A_19, %dma_wait3A_20] : memref<10000x128xf32, #tpu.memory_space<hbm>> -> memref<10000x128xf32, #tpu.memory_space<hbm>>
    tpu.wait_indirect_dma semaphore(%arg17 : memref<!tpu.dma_semaphore, #tpu.memory_space<semaphore_mem>>) src(%dma_wait3A_21 : memref<10000x128xf32, #tpu.memory_space<hbm>>) dst(%arg12 : memref<128x128xf32, #tpu.memory_space<vmem>>)
    %run_scoped3A = arith.constant 78 : i32
    "tpu.region"() ({
      %run_scoped3A_33 = tpu.sem_alloc : memref<!tpu.dma_semaphore, #tpu.memory_space<semaphore_mem>>
      %dma_start3A_34 = arith.constant 0 : i32
      %dma_start3A_35 = tpu.memref_slice %arg11[%run_scoped3A, %dma_start3A_34] : memref<79x128xi32, #tpu.memory_space<vmem>> -> memref<1x128xi32, #tpu.memory_space<vmem>>
      %dma_start3A_36 = tpu.memref_squeeze %dma_start3A_35 : memref<1x128xi32, #tpu.memory_space<vmem>> -> memref<128xi32, #tpu.memory_space<vmem>>
      %dma_start3A_37 = arith.constant 0 : i32
      %dma_start3A_38 = arith.constant 0 : i32
      %dma_start3A_39 = tpu.memref_slice %arg15[%dma_start3A_37, %dma_start3A_38] : memref<512x128xf32, #tpu.memory_space<vmem_shared>> -> memref<512x128xf32, #tpu.memory_space<vmem_shared>>
      tpu.enqueue_indirect_dma source(%arg12 : memref<128x128xf32, #tpu.memory_space<vmem>>) target(%dma_start3A_39 : memref<512x128xf32, #tpu.memory_space<vmem_shared>>) offsets(%dma_start3A_36 : memref<128xi32, #tpu.memory_space<vmem>>) semaphore(%run_scoped3A_33 : memref<!tpu.dma_semaphore, #tpu.memory_space<semaphore_mem>>) {add = true}
      %dma_wait3A_40 = arith.constant 0 : i32
      %dma_wait3A_41 = tpu.memref_slice %arg11[%run_scoped3A, %dma_wait3A_40] : memref<79x128xi32, #tpu.memory_space<vmem>> -> memref<1x128xi32, #tpu.memory_space<vmem>>
      %dma_wait3A_42 = tpu.memref_squeeze %dma_wait3A_41 : memref<1x128xi32, #tpu.memory_space<vmem>> -> memref<128xi32, #tpu.memory_space<vmem>>
      %dma_wait3A_43 = arith.constant 0 : i32
      %dma_wait3A_44 = arith.constant 0 : i32
      %dma_wait3A_45 = tpu.memref_slice %arg15[%dma_wait3A_43, %dma_wait3A_44] : memref<512x128xf32, #tpu.memory_space<vmem_shared>> -> memref<512x128xf32, #tpu.memory_space<vmem_shared>>
      tpu.wait_indirect_dma semaphore(%run_scoped3A_33 : memref<!tpu.dma_semaphore, #tpu.memory_space<semaphore_mem>>) src(%arg12 : memref<128x128xf32, #tpu.memory_space<vmem>>) dst(%dma_wait3A_45 : memref<512x128xf32, #tpu.memory_space<vmem_shared>>)
      tpu.yield
    }) : () -> ()
    %run_scoped3A_22 = arith.constant 78 : i32
    "tpu.region"() ({
      %run_scoped3A_33 = tpu.sem_alloc : memref<!tpu.dma_semaphore, #tpu.memory_space<semaphore_mem>>
      %dma_start3A_34 = arith.constant 0 : i32
      %dma_start3A_35 = tpu.memref_slice %arg11[%run_scoped3A_22, %dma_start3A_34] : memref<79x128xi32, #tpu.memory_space<vmem>> -> memref<1x128xi32, #tpu.memory_space<vmem>>
      %dma_start3A_36 = tpu.memref_squeeze %dma_start3A_35 : memref<1x128xi32, #tpu.memory_space<vmem>> -> memref<128xi32, #tpu.memory_space<vmem>>
      %dma_start3A_37 = arith.constant 0 : i32
      %dma_start3A_38 = arith.constant 0 : i32
      %dma_start3A_39 = tpu.memref_slice %arg16[%dma_start3A_37, %dma_start3A_38] : memref<512x16xf32, #tpu.memory_space<vmem_shared>> -> memref<512x16xf32, #tpu.memory_space<vmem_shared>>
      tpu.enqueue_indirect_dma source(%arg14 : memref<128x16xf32, #tpu.memory_space<vmem>>) target(%dma_start3A_39 : memref<512x16xf32, #tpu.memory_space<vmem_shared>>) offsets(%dma_start3A_36 : memref<128xi32, #tpu.memory_space<vmem>>) semaphore(%run_scoped3A_33 : memref<!tpu.dma_semaphore, #tpu.memory_space<semaphore_mem>>) {add = true}
      %dma_wait3A_40 = arith.constant 0 : i32
      %dma_wait3A_41 = tpu.memref_slice %arg11[%run_scoped3A_22, %dma_wait3A_40] : memref<79x128xi32, #tpu.memory_space<vmem>> -> memref<1x128xi32, #tpu.memory_space<vmem>>
      %dma_wait3A_42 = tpu.memref_squeeze %dma_wait3A_41 : memref<1x128xi32, #tpu.memory_space<vmem>> -> memref<128xi32, #tpu.memory_space<vmem>>
      %dma_wait3A_43 = arith.constant 0 : i32
      %dma_wait3A_44 = arith.constant 0 : i32
      %dma_wait3A_45 = tpu.memref_slice %arg16[%dma_wait3A_43, %dma_wait3A_44] : memref<512x16xf32, #tpu.memory_space<vmem_shared>> -> memref<512x16xf32, #tpu.memory_space<vmem_shared>>
      tpu.wait_indirect_dma semaphore(%run_scoped3A_33 : memref<!tpu.dma_semaphore, #tpu.memory_space<semaphore_mem>>) src(%arg14 : memref<128x16xf32, #tpu.memory_space<vmem>>) dst(%dma_wait3A_45 : memref<512x16xf32, #tpu.memory_space<vmem_shared>>)
      tpu.yield
    }) : () -> ()
    %barrier3A_23 = arith.constant 0 : index
    tpu.barrier barrier_id(%barrier3A_23)
    %mul3A_24 = arith.constant 512 : i32
    %mul3A_25 = arith.muli %arg0, %mul3A_24 : i32
    %mul3A_26 = arith.constant 32 : i32
    %mul3A_27 = arith.muli %arg1, %mul3A_26 : i32
    %add3A_28 = arith.addi %mul3A_25, %mul3A_27 : i32
    %mul3A_29 = arith.constant 32 : i32
    %mul3A_30 = arith.muli %arg1, %mul3A_29 : i32
    "tpu.region"() ({
      %run_scoped3A_33 = tpu.sem_alloc : memref<!tpu.dma_semaphore, #tpu.memory_space<semaphore_mem>>
      %dma_start3A_34 = arith.constant 0 : i32
      %dma_start3A_35 = tpu.memref_slice %arg8[%add3A_28, %dma_start3A_34] : memref<1024x128xf32, #tpu.memory_space<hbm>> -> memref<32x128xf32, #tpu.memory_space<hbm>>
      %dma_start3A_36 = arith.constant 0 : i32
      %dma_start3A_37 = tpu.memref_slice %arg15[%mul3A_30, %dma_start3A_36] : memref<512x128xf32, #tpu.memory_space<vmem_shared>> -> memref<32x128xf32, #tpu.memory_space<vmem_shared>>
      tpu.enqueue_dma source(%dma_start3A_37 : memref<32x128xf32, #tpu.memory_space<vmem_shared>>) target(%dma_start3A_35 : memref<32x128xf32, #tpu.memory_space<hbm>>) target_semaphore(%run_scoped3A_33 : memref<!tpu.dma_semaphore, #tpu.memory_space<semaphore_mem>>)
      %dma_wait3A_38 = arith.constant 0 : i32
      %dma_wait3A_39 = tpu.memref_slice %arg8[%add3A_28, %dma_wait3A_38] : memref<1024x128xf32, #tpu.memory_space<hbm>> -> memref<32x128xf32, #tpu.memory_space<hbm>>
      %dma_wait3A_40 = arith.constant 0 : i32
      %dma_wait3A_41 = tpu.memref_slice %arg15[%mul3A_30, %dma_wait3A_40] : memref<512x128xf32, #tpu.memory_space<vmem_shared>> -> memref<32x128xf32, #tpu.memory_space<vmem_shared>>
      tpu.wait_dma2 semaphore(%run_scoped3A_33 : memref<!tpu.dma_semaphore, #tpu.memory_space<semaphore_mem>>) src(%dma_wait3A_41 : memref<32x128xf32, #tpu.memory_space<vmem_shared>>) dst(%dma_wait3A_39 : memref<32x128xf32, #tpu.memory_space<hbm>>)
      tpu.yield
    }) : () -> ()
    %mul3A_31 = arith.constant 32 : i32
    %mul3A_32 = arith.muli %arg1, %mul3A_31 : i32
    "tpu.region"() ({
      %run_scoped3A_33 = tpu.sem_alloc : memref<!tpu.dma_semaphore, #tpu.memory_space<semaphore_mem>>
      %dma_start3A_34 = arith.constant 0 : i32
      %dma_start3A_35 = tpu.memref_slice %arg9[%add3A_28, %dma_start3A_34] : memref<1024x16xf32, #tpu.memory_space<hbm>> -> memref<32x16xf32, #tpu.memory_space<hbm>>
      %dma_start3A_36 = arith.constant 0 : i32
      %dma_start3A_37 = tpu.memref_slice %arg16[%mul3A_32, %dma_start3A_36] : memref<512x16xf32, #tpu.memory_space<vmem_shared>> -> memref<32x16xf32, #tpu.memory_space<vmem_shared>>
      tpu.enqueue_dma source(%dma_start3A_37 : memref<32x16xf32, #tpu.memory_space<vmem_shared>>) target(%dma_start3A_35 : memref<32x16xf32, #tpu.memory_space<hbm>>) target_semaphore(%run_scoped3A_33 : memref<!tpu.dma_semaphore, #tpu.memory_space<semaphore_mem>>)
      %dma_wait3A_38 = arith.constant 0 : i32
      %dma_wait3A_39 = tpu.memref_slice %arg9[%add3A_28, %dma_wait3A_38] : memref<1024x16xf32, #tpu.memory_space<hbm>> -> memref<32x16xf32, #tpu.memory_space<hbm>>
      %dma_wait3A_40 = arith.constant 0 : i32
      %dma_wait3A_41 = tpu.memref_slice %arg16[%mul3A_32, %dma_wait3A_40] : memref<512x16xf32, #tpu.memory_space<vmem_shared>> -> memref<32x16xf32, #tpu.memory_space<vmem_shared>>
      tpu.wait_dma2 semaphore(%run_scoped3A_33 : memref<!tpu.dma_semaphore, #tpu.memory_space<semaphore_mem>>) src(%dma_wait3A_41 : memref<32x16xf32, #tpu.memory_space<vmem_shared>>) dst(%dma_wait3A_39 : memref<32x16xf32, #tpu.memory_space<hbm>>)
      tpu.yield
    }) : () -> ()
    return
  }
}

#map = affine_map<(d0, d1) -> (0, 0)>
#map1 = affine_map<(d0, d1) -> (0, 0, 0)>
module attributes {stable_mosaic.version = 14 : i64} {
  func.func @_sc_agg(%arg0: i32, %arg1: i32, %arg2: memref<20000x64xf32, #tpu.memory_space<hbm>>, %arg3: memref<800x64xf32, #tpu.memory_space<hbm>>, %arg4: memref<32x158x128xi32, #tpu.memory_space<hbm>>, %arg5: memref<16x158x128xi32, #tpu.memory_space<hbm>>, %arg6: memref<32x158x128xi32, #tpu.memory_space<hbm>>, %arg7: memref<632x64xf32, #tpu.memory_space<hbm>>, %arg8: memref<632x16xf32, #tpu.memory_space<hbm>>, %arg9: memref<128x16xf32, #tpu.memory_space<hbm>>, %arg10: memref<20224x64xf32, #tpu.memory_space<hbm>>, %arg11: memref<20224x16xf32, #tpu.memory_space<hbm>>, %arg12: memref<158x128xi32, #tpu.memory_space<vmem>>, %arg13: memref<158x128xi32, #tpu.memory_space<vmem>>, %arg14: memref<158x128xi32, #tpu.memory_space<vmem>>, %arg15: memref<128x64xf32, #tpu.memory_space<vmem>>, %arg16: memref<128x64xf32, #tpu.memory_space<vmem>>, %arg17: memref<128x16xf32, #tpu.memory_space<vmem>>, %arg18: memref<10112x64xf32, #tpu.memory_space<vmem_shared>>, %arg19: memref<10112x16xf32, #tpu.memory_space<vmem_shared>>, %arg20: memref<!tpu.dma_semaphore, #tpu.memory_space<semaphore_mem>>, %arg21: memref<!tpu.dma_semaphore, #tpu.memory_space<semaphore_mem>>) attributes {dimension_semantics = [#tpu.dimension_semantics<core_parallel>, #tpu.dimension_semantics<subcore_parallel>], iteration_bounds = array<i64: 2, 16>, scalar_prefetch = 0 : i64, scratch_operands = 10 : i64, tpu.core_type = #tpu.core_type<sc_vector_subcore>, window_params = [{transform_indices = #map}, {transform_indices = #map}, {transform_indices = #map1}, {transform_indices = #map1}, {transform_indices = #map1}, {transform_indices = #map}, {transform_indices = #map}, {transform_indices = #map}, {transform_indices = #map}, {transform_indices = #map}]} {
    %mul3A = arith.constant 16 : i32
    %mul3A_0 = arith.muli %arg0, %mul3A : i32
    %add3A = arith.addi %mul3A_0, %arg1 : i32
    "tpu.region"() ({
      %run_scoped3A = tpu.sem_alloc : memref<!tpu.dma_semaphore, #tpu.memory_space<semaphore_mem>>
      %dma_start3A = arith.constant 0 : i32
      %dma_start3A_20 = arith.constant 0 : i32
      %dma_start3A_21 = tpu.memref_slice %arg4[%add3A, %dma_start3A, %dma_start3A_20] : memref<32x158x128xi32, #tpu.memory_space<hbm>> -> memref<1x158x128xi32, #tpu.memory_space<hbm>>
      %dma_start3A_22 = tpu.memref_squeeze %dma_start3A_21 : memref<1x158x128xi32, #tpu.memory_space<hbm>> -> memref<158x128xi32, #tpu.memory_space<hbm>>
      %dma_start3A_23 = arith.constant 0 : i32
      %dma_start3A_24 = arith.constant 0 : i32
      %dma_start3A_25 = tpu.memref_slice %arg4[%add3A, %dma_start3A_23, %dma_start3A_24] : memref<32x158x128xi32, #tpu.memory_space<hbm>> -> memref<1x158x128xi32, #tpu.memory_space<hbm>>
      %dma_start3A_26 = tpu.memref_squeeze %dma_start3A_25 : memref<1x158x128xi32, #tpu.memory_space<hbm>> -> memref<158x128xi32, #tpu.memory_space<hbm>>
      tpu.enqueue_dma source(%dma_start3A_26 : memref<158x128xi32, #tpu.memory_space<hbm>>) target(%arg12 : memref<158x128xi32, #tpu.memory_space<vmem>>) target_semaphore(%run_scoped3A : memref<!tpu.dma_semaphore, #tpu.memory_space<semaphore_mem>>)
      %dma_wait3A = arith.constant 0 : i32
      %dma_wait3A_27 = arith.constant 0 : i32
      %dma_wait3A_28 = tpu.memref_slice %arg4[%add3A, %dma_wait3A, %dma_wait3A_27] : memref<32x158x128xi32, #tpu.memory_space<hbm>> -> memref<1x158x128xi32, #tpu.memory_space<hbm>>
      %dma_wait3A_29 = tpu.memref_squeeze %dma_wait3A_28 : memref<1x158x128xi32, #tpu.memory_space<hbm>> -> memref<158x128xi32, #tpu.memory_space<hbm>>
      %dma_wait3A_30 = arith.constant 0 : i32
      %dma_wait3A_31 = arith.constant 0 : i32
      %dma_wait3A_32 = tpu.memref_slice %arg4[%add3A, %dma_wait3A_30, %dma_wait3A_31] : memref<32x158x128xi32, #tpu.memory_space<hbm>> -> memref<1x158x128xi32, #tpu.memory_space<hbm>>
      %dma_wait3A_33 = tpu.memref_squeeze %dma_wait3A_32 : memref<1x158x128xi32, #tpu.memory_space<hbm>> -> memref<158x128xi32, #tpu.memory_space<hbm>>
      tpu.wait_dma2 semaphore(%run_scoped3A : memref<!tpu.dma_semaphore, #tpu.memory_space<semaphore_mem>>) src(%dma_wait3A_33 : memref<158x128xi32, #tpu.memory_space<hbm>>) dst(%arg12 : memref<158x128xi32, #tpu.memory_space<vmem>>)
      tpu.yield
    }) : () -> ()
    "tpu.region"() ({
      %run_scoped3A = tpu.sem_alloc : memref<!tpu.dma_semaphore, #tpu.memory_space<semaphore_mem>>
      %dma_start3A = arith.constant 0 : i32
      %dma_start3A_20 = arith.constant 0 : i32
      %dma_start3A_21 = tpu.memref_slice %arg5[%arg1, %dma_start3A, %dma_start3A_20] : memref<16x158x128xi32, #tpu.memory_space<hbm>> -> memref<1x158x128xi32, #tpu.memory_space<hbm>>
      %dma_start3A_22 = tpu.memref_squeeze %dma_start3A_21 : memref<1x158x128xi32, #tpu.memory_space<hbm>> -> memref<158x128xi32, #tpu.memory_space<hbm>>
      %dma_start3A_23 = arith.constant 0 : i32
      %dma_start3A_24 = arith.constant 0 : i32
      %dma_start3A_25 = tpu.memref_slice %arg5[%arg1, %dma_start3A_23, %dma_start3A_24] : memref<16x158x128xi32, #tpu.memory_space<hbm>> -> memref<1x158x128xi32, #tpu.memory_space<hbm>>
      %dma_start3A_26 = tpu.memref_squeeze %dma_start3A_25 : memref<1x158x128xi32, #tpu.memory_space<hbm>> -> memref<158x128xi32, #tpu.memory_space<hbm>>
      tpu.enqueue_dma source(%dma_start3A_26 : memref<158x128xi32, #tpu.memory_space<hbm>>) target(%arg13 : memref<158x128xi32, #tpu.memory_space<vmem>>) target_semaphore(%run_scoped3A : memref<!tpu.dma_semaphore, #tpu.memory_space<semaphore_mem>>)
      %dma_wait3A = arith.constant 0 : i32
      %dma_wait3A_27 = arith.constant 0 : i32
      %dma_wait3A_28 = tpu.memref_slice %arg5[%arg1, %dma_wait3A, %dma_wait3A_27] : memref<16x158x128xi32, #tpu.memory_space<hbm>> -> memref<1x158x128xi32, #tpu.memory_space<hbm>>
      %dma_wait3A_29 = tpu.memref_squeeze %dma_wait3A_28 : memref<1x158x128xi32, #tpu.memory_space<hbm>> -> memref<158x128xi32, #tpu.memory_space<hbm>>
      %dma_wait3A_30 = arith.constant 0 : i32
      %dma_wait3A_31 = arith.constant 0 : i32
      %dma_wait3A_32 = tpu.memref_slice %arg5[%arg1, %dma_wait3A_30, %dma_wait3A_31] : memref<16x158x128xi32, #tpu.memory_space<hbm>> -> memref<1x158x128xi32, #tpu.memory_space<hbm>>
      %dma_wait3A_33 = tpu.memref_squeeze %dma_wait3A_32 : memref<1x158x128xi32, #tpu.memory_space<hbm>> -> memref<158x128xi32, #tpu.memory_space<hbm>>
      tpu.wait_dma2 semaphore(%run_scoped3A : memref<!tpu.dma_semaphore, #tpu.memory_space<semaphore_mem>>) src(%dma_wait3A_33 : memref<158x128xi32, #tpu.memory_space<hbm>>) dst(%arg13 : memref<158x128xi32, #tpu.memory_space<vmem>>)
      tpu.yield
    }) : () -> ()
    "tpu.region"() ({
      %run_scoped3A = tpu.sem_alloc : memref<!tpu.dma_semaphore, #tpu.memory_space<semaphore_mem>>
      %dma_start3A = arith.constant 0 : i32
      %dma_start3A_20 = arith.constant 0 : i32
      %dma_start3A_21 = tpu.memref_slice %arg6[%add3A, %dma_start3A, %dma_start3A_20] : memref<32x158x128xi32, #tpu.memory_space<hbm>> -> memref<1x158x128xi32, #tpu.memory_space<hbm>>
      %dma_start3A_22 = tpu.memref_squeeze %dma_start3A_21 : memref<1x158x128xi32, #tpu.memory_space<hbm>> -> memref<158x128xi32, #tpu.memory_space<hbm>>
      %dma_start3A_23 = arith.constant 0 : i32
      %dma_start3A_24 = arith.constant 0 : i32
      %dma_start3A_25 = tpu.memref_slice %arg6[%add3A, %dma_start3A_23, %dma_start3A_24] : memref<32x158x128xi32, #tpu.memory_space<hbm>> -> memref<1x158x128xi32, #tpu.memory_space<hbm>>
      %dma_start3A_26 = tpu.memref_squeeze %dma_start3A_25 : memref<1x158x128xi32, #tpu.memory_space<hbm>> -> memref<158x128xi32, #tpu.memory_space<hbm>>
      tpu.enqueue_dma source(%dma_start3A_26 : memref<158x128xi32, #tpu.memory_space<hbm>>) target(%arg14 : memref<158x128xi32, #tpu.memory_space<vmem>>) target_semaphore(%run_scoped3A : memref<!tpu.dma_semaphore, #tpu.memory_space<semaphore_mem>>)
      %dma_wait3A = arith.constant 0 : i32
      %dma_wait3A_27 = arith.constant 0 : i32
      %dma_wait3A_28 = tpu.memref_slice %arg6[%add3A, %dma_wait3A, %dma_wait3A_27] : memref<32x158x128xi32, #tpu.memory_space<hbm>> -> memref<1x158x128xi32, #tpu.memory_space<hbm>>
      %dma_wait3A_29 = tpu.memref_squeeze %dma_wait3A_28 : memref<1x158x128xi32, #tpu.memory_space<hbm>> -> memref<158x128xi32, #tpu.memory_space<hbm>>
      %dma_wait3A_30 = arith.constant 0 : i32
      %dma_wait3A_31 = arith.constant 0 : i32
      %dma_wait3A_32 = tpu.memref_slice %arg6[%add3A, %dma_wait3A_30, %dma_wait3A_31] : memref<32x158x128xi32, #tpu.memory_space<hbm>> -> memref<1x158x128xi32, #tpu.memory_space<hbm>>
      %dma_wait3A_33 = tpu.memref_squeeze %dma_wait3A_32 : memref<1x158x128xi32, #tpu.memory_space<hbm>> -> memref<158x128xi32, #tpu.memory_space<hbm>>
      tpu.wait_dma2 semaphore(%run_scoped3A : memref<!tpu.dma_semaphore, #tpu.memory_space<semaphore_mem>>) src(%dma_wait3A_33 : memref<158x128xi32, #tpu.memory_space<hbm>>) dst(%arg14 : memref<158x128xi32, #tpu.memory_space<vmem>>)
      tpu.yield
    }) : () -> ()
    "tpu.region"() ({
      %run_scoped3A = tpu.sem_alloc : memref<!tpu.dma_semaphore, #tpu.memory_space<semaphore_mem>>
      tpu.enqueue_dma source(%arg9 : memref<128x16xf32, #tpu.memory_space<hbm>>) target(%arg17 : memref<128x16xf32, #tpu.memory_space<vmem>>) target_semaphore(%run_scoped3A : memref<!tpu.dma_semaphore, #tpu.memory_space<semaphore_mem>>)
      tpu.wait_dma2 semaphore(%run_scoped3A : memref<!tpu.dma_semaphore, #tpu.memory_space<semaphore_mem>>) src(%arg9 : memref<128x16xf32, #tpu.memory_space<hbm>>) dst(%arg17 : memref<128x16xf32, #tpu.memory_space<vmem>>)
      tpu.yield
    }) : () -> ()
    %mul3A_1 = arith.constant 632 : i32
    %mul3A_2 = arith.muli %arg1, %mul3A_1 : i32
    "tpu.region"() ({
      %run_scoped3A = tpu.sem_alloc : memref<!tpu.dma_semaphore, #tpu.memory_space<semaphore_mem>>
      %dma_start3A = arith.constant 0 : i32
      %dma_start3A_20 = tpu.memref_slice %arg18[%mul3A_2, %dma_start3A] : memref<10112x64xf32, #tpu.memory_space<vmem_shared>> -> memref<632x64xf32, #tpu.memory_space<vmem_shared>>
      tpu.enqueue_dma source(%arg7 : memref<632x64xf32, #tpu.memory_space<hbm>>) target(%dma_start3A_20 : memref<632x64xf32, #tpu.memory_space<vmem_shared>>) target_semaphore(%run_scoped3A : memref<!tpu.dma_semaphore, #tpu.memory_space<semaphore_mem>>)
      %dma_wait3A = arith.constant 0 : i32
      %dma_wait3A_21 = tpu.memref_slice %arg18[%mul3A_2, %dma_wait3A] : memref<10112x64xf32, #tpu.memory_space<vmem_shared>> -> memref<632x64xf32, #tpu.memory_space<vmem_shared>>
      tpu.wait_dma2 semaphore(%run_scoped3A : memref<!tpu.dma_semaphore, #tpu.memory_space<semaphore_mem>>) src(%arg7 : memref<632x64xf32, #tpu.memory_space<hbm>>) dst(%dma_wait3A_21 : memref<632x64xf32, #tpu.memory_space<vmem_shared>>)
      tpu.yield
    }) : () -> ()
    %mul3A_3 = arith.constant 632 : i32
    %mul3A_4 = arith.muli %arg1, %mul3A_3 : i32
    "tpu.region"() ({
      %run_scoped3A = tpu.sem_alloc : memref<!tpu.dma_semaphore, #tpu.memory_space<semaphore_mem>>
      %dma_start3A = arith.constant 0 : i32
      %dma_start3A_20 = tpu.memref_slice %arg19[%mul3A_4, %dma_start3A] : memref<10112x16xf32, #tpu.memory_space<vmem_shared>> -> memref<632x16xf32, #tpu.memory_space<vmem_shared>>
      tpu.enqueue_dma source(%arg8 : memref<632x16xf32, #tpu.memory_space<hbm>>) target(%dma_start3A_20 : memref<632x16xf32, #tpu.memory_space<vmem_shared>>) target_semaphore(%run_scoped3A : memref<!tpu.dma_semaphore, #tpu.memory_space<semaphore_mem>>)
      %dma_wait3A = arith.constant 0 : i32
      %dma_wait3A_21 = tpu.memref_slice %arg19[%mul3A_4, %dma_wait3A] : memref<10112x16xf32, #tpu.memory_space<vmem_shared>> -> memref<632x16xf32, #tpu.memory_space<vmem_shared>>
      tpu.wait_dma2 semaphore(%run_scoped3A : memref<!tpu.dma_semaphore, #tpu.memory_space<semaphore_mem>>) src(%arg8 : memref<632x16xf32, #tpu.memory_space<hbm>>) dst(%dma_wait3A_21 : memref<632x16xf32, #tpu.memory_space<vmem_shared>>)
      tpu.yield
    }) : () -> ()
    %barrier3A = arith.constant 0 : index
    tpu.barrier barrier_id(%barrier3A)
    %scan3A = arith.constant 0 : i32
    %scan3A_5 = arith.constant 0 : i32
    %scan3A_6 = arith.constant 158 : i32
    %scan3A_7 = arith.addi %scan3A_5, %scan3A_6 : i32
    %scan3A_8 = arith.constant 1 : i32
    scf.for %scan3A_20 = %scan3A_5 to %scan3A_7 step %scan3A_8  : i32 {
      %dma_start3A = arith.constant 0 : i32
      %dma_start3A_21 = tpu.memref_slice %arg12[%scan3A_20, %dma_start3A] : memref<158x128xi32, #tpu.memory_space<vmem>> -> memref<1x128xi32, #tpu.memory_space<vmem>>
      %dma_start3A_22 = tpu.memref_squeeze %dma_start3A_21 : memref<1x128xi32, #tpu.memory_space<vmem>> -> memref<128xi32, #tpu.memory_space<vmem>>
      %dma_start3A_23 = arith.constant 0 : i32
      %dma_start3A_24 = arith.constant 0 : i32
      %dma_start3A_25 = tpu.memref_slice %arg2[%dma_start3A_23, %dma_start3A_24] : memref<20000x64xf32, #tpu.memory_space<hbm>> -> memref<20000x64xf32, #tpu.memory_space<hbm>>
      tpu.enqueue_indirect_dma source(%dma_start3A_25 : memref<20000x64xf32, #tpu.memory_space<hbm>>) target(%arg15 : memref<128x64xf32, #tpu.memory_space<vmem>>) offsets(%dma_start3A_22 : memref<128xi32, #tpu.memory_space<vmem>>) semaphore(%arg20 : memref<!tpu.dma_semaphore, #tpu.memory_space<semaphore_mem>>)
      %dma_start3A_26 = arith.constant 0 : i32
      %dma_start3A_27 = tpu.memref_slice %arg14[%scan3A_20, %dma_start3A_26] : memref<158x128xi32, #tpu.memory_space<vmem>> -> memref<1x128xi32, #tpu.memory_space<vmem>>
      %dma_start3A_28 = tpu.memref_squeeze %dma_start3A_27 : memref<1x128xi32, #tpu.memory_space<vmem>> -> memref<128xi32, #tpu.memory_space<vmem>>
      %dma_start3A_29 = arith.constant 0 : i32
      %dma_start3A_30 = arith.constant 0 : i32
      %dma_start3A_31 = tpu.memref_slice %arg3[%dma_start3A_29, %dma_start3A_30] : memref<800x64xf32, #tpu.memory_space<hbm>> -> memref<800x64xf32, #tpu.memory_space<hbm>>
      tpu.enqueue_indirect_dma source(%dma_start3A_31 : memref<800x64xf32, #tpu.memory_space<hbm>>) target(%arg16 : memref<128x64xf32, #tpu.memory_space<vmem>>) offsets(%dma_start3A_28 : memref<128xi32, #tpu.memory_space<vmem>>) semaphore(%arg21 : memref<!tpu.dma_semaphore, #tpu.memory_space<semaphore_mem>>)
      %mul3A_32 = arith.constant 79 : i32
      %mul3A_33 = arith.muli %arg0, %mul3A_32 : i32
      %ge3A = arith.cmpi sge, %scan3A_20, %mul3A_33 : i32
      %add3A_34 = arith.constant 1 : i32
      %add3A_35 = arith.addi %arg0, %add3A_34 : i32
      %mul3A_36 = arith.constant 79 : i32
      %mul3A_37 = arith.muli %add3A_35, %mul3A_36 : i32
      %lt3A = arith.cmpi slt, %scan3A_20, %mul3A_37 : i32
      %and3A = arith.andi %ge3A, %lt3A : i1
      %convert_element_type3A = arith.extui %and3A : i1 to i32
      %cond3A = arith.constant 0 : i32
      %cond3A_38 = arith.cmpi ne, %convert_element_type3A, %cond3A : i32
      scf.if %cond3A_38 {
        "tpu.region"() ({
          %run_scoped3A = tpu.sem_alloc : memref<!tpu.dma_semaphore, #tpu.memory_space<semaphore_mem>>
          %dma_start3A_50 = arith.constant 0 : i32
          %dma_start3A_51 = tpu.memref_slice %arg13[%scan3A_20, %dma_start3A_50] : memref<158x128xi32, #tpu.memory_space<vmem>> -> memref<1x128xi32, #tpu.memory_space<vmem>>
          %dma_start3A_52 = tpu.memref_squeeze %dma_start3A_51 : memref<1x128xi32, #tpu.memory_space<vmem>> -> memref<128xi32, #tpu.memory_space<vmem>>
          %dma_start3A_53 = arith.constant 0 : i32
          %dma_start3A_54 = arith.constant 0 : i32
          %dma_start3A_55 = tpu.memref_slice %arg19[%dma_start3A_53, %dma_start3A_54] : memref<10112x16xf32, #tpu.memory_space<vmem_shared>> -> memref<10112x16xf32, #tpu.memory_space<vmem_shared>>
          tpu.enqueue_indirect_dma source(%arg17 : memref<128x16xf32, #tpu.memory_space<vmem>>) target(%dma_start3A_55 : memref<10112x16xf32, #tpu.memory_space<vmem_shared>>) offsets(%dma_start3A_52 : memref<128xi32, #tpu.memory_space<vmem>>) semaphore(%run_scoped3A : memref<!tpu.dma_semaphore, #tpu.memory_space<semaphore_mem>>) {add = true}
          %dma_wait3A_56 = arith.constant 0 : i32
          %dma_wait3A_57 = tpu.memref_slice %arg13[%scan3A_20, %dma_wait3A_56] : memref<158x128xi32, #tpu.memory_space<vmem>> -> memref<1x128xi32, #tpu.memory_space<vmem>>
          %dma_wait3A_58 = tpu.memref_squeeze %dma_wait3A_57 : memref<1x128xi32, #tpu.memory_space<vmem>> -> memref<128xi32, #tpu.memory_space<vmem>>
          %dma_wait3A_59 = arith.constant 0 : i32
          %dma_wait3A_60 = arith.constant 0 : i32
          %dma_wait3A_61 = tpu.memref_slice %arg19[%dma_wait3A_59, %dma_wait3A_60] : memref<10112x16xf32, #tpu.memory_space<vmem_shared>> -> memref<10112x16xf32, #tpu.memory_space<vmem_shared>>
          tpu.wait_indirect_dma semaphore(%run_scoped3A : memref<!tpu.dma_semaphore, #tpu.memory_space<semaphore_mem>>) src(%arg17 : memref<128x16xf32, #tpu.memory_space<vmem>>) dst(%dma_wait3A_61 : memref<10112x16xf32, #tpu.memory_space<vmem_shared>>)
          tpu.yield
        }) : () -> ()
      } else {
      }
      %dma_wait3A = arith.constant 0 : i32
      %dma_wait3A_39 = tpu.memref_slice %arg12[%scan3A_20, %dma_wait3A] : memref<158x128xi32, #tpu.memory_space<vmem>> -> memref<1x128xi32, #tpu.memory_space<vmem>>
      %dma_wait3A_40 = tpu.memref_squeeze %dma_wait3A_39 : memref<1x128xi32, #tpu.memory_space<vmem>> -> memref<128xi32, #tpu.memory_space<vmem>>
      %dma_wait3A_41 = arith.constant 0 : i32
      %dma_wait3A_42 = arith.constant 0 : i32
      %dma_wait3A_43 = tpu.memref_slice %arg2[%dma_wait3A_41, %dma_wait3A_42] : memref<20000x64xf32, #tpu.memory_space<hbm>> -> memref<20000x64xf32, #tpu.memory_space<hbm>>
      tpu.wait_indirect_dma semaphore(%arg20 : memref<!tpu.dma_semaphore, #tpu.memory_space<semaphore_mem>>) src(%dma_wait3A_43 : memref<20000x64xf32, #tpu.memory_space<hbm>>) dst(%arg15 : memref<128x64xf32, #tpu.memory_space<vmem>>)
      %dma_wait3A_44 = arith.constant 0 : i32
      %dma_wait3A_45 = tpu.memref_slice %arg14[%scan3A_20, %dma_wait3A_44] : memref<158x128xi32, #tpu.memory_space<vmem>> -> memref<1x128xi32, #tpu.memory_space<vmem>>
      %dma_wait3A_46 = tpu.memref_squeeze %dma_wait3A_45 : memref<1x128xi32, #tpu.memory_space<vmem>> -> memref<128xi32, #tpu.memory_space<vmem>>
      %dma_wait3A_47 = arith.constant 0 : i32
      %dma_wait3A_48 = arith.constant 0 : i32
      %dma_wait3A_49 = tpu.memref_slice %arg3[%dma_wait3A_47, %dma_wait3A_48] : memref<800x64xf32, #tpu.memory_space<hbm>> -> memref<800x64xf32, #tpu.memory_space<hbm>>
      tpu.wait_indirect_dma semaphore(%arg21 : memref<!tpu.dma_semaphore, #tpu.memory_space<semaphore_mem>>) src(%dma_wait3A_49 : memref<800x64xf32, #tpu.memory_space<hbm>>) dst(%arg16 : memref<128x64xf32, #tpu.memory_space<vmem>>)
      "tpu.region"() ({
        %run_scoped3A = tpu.sem_alloc : memref<!tpu.dma_semaphore, #tpu.memory_space<semaphore_mem>>
        %dma_start3A_50 = arith.constant 0 : i32
        %dma_start3A_51 = tpu.memref_slice %arg13[%scan3A_20, %dma_start3A_50] : memref<158x128xi32, #tpu.memory_space<vmem>> -> memref<1x128xi32, #tpu.memory_space<vmem>>
        %dma_start3A_52 = tpu.memref_squeeze %dma_start3A_51 : memref<1x128xi32, #tpu.memory_space<vmem>> -> memref<128xi32, #tpu.memory_space<vmem>>
        %dma_start3A_53 = arith.constant 0 : i32
        %dma_start3A_54 = arith.constant 0 : i32
        %dma_start3A_55 = tpu.memref_slice %arg18[%dma_start3A_53, %dma_start3A_54] : memref<10112x64xf32, #tpu.memory_space<vmem_shared>> -> memref<10112x64xf32, #tpu.memory_space<vmem_shared>>
        tpu.enqueue_indirect_dma source(%arg15 : memref<128x64xf32, #tpu.memory_space<vmem>>) target(%dma_start3A_55 : memref<10112x64xf32, #tpu.memory_space<vmem_shared>>) offsets(%dma_start3A_52 : memref<128xi32, #tpu.memory_space<vmem>>) semaphore(%run_scoped3A : memref<!tpu.dma_semaphore, #tpu.memory_space<semaphore_mem>>) {add = true}
        %dma_wait3A_56 = arith.constant 0 : i32
        %dma_wait3A_57 = tpu.memref_slice %arg13[%scan3A_20, %dma_wait3A_56] : memref<158x128xi32, #tpu.memory_space<vmem>> -> memref<1x128xi32, #tpu.memory_space<vmem>>
        %dma_wait3A_58 = tpu.memref_squeeze %dma_wait3A_57 : memref<1x128xi32, #tpu.memory_space<vmem>> -> memref<128xi32, #tpu.memory_space<vmem>>
        %dma_wait3A_59 = arith.constant 0 : i32
        %dma_wait3A_60 = arith.constant 0 : i32
        %dma_wait3A_61 = tpu.memref_slice %arg18[%dma_wait3A_59, %dma_wait3A_60] : memref<10112x64xf32, #tpu.memory_space<vmem_shared>> -> memref<10112x64xf32, #tpu.memory_space<vmem_shared>>
        tpu.wait_indirect_dma semaphore(%run_scoped3A : memref<!tpu.dma_semaphore, #tpu.memory_space<semaphore_mem>>) src(%arg15 : memref<128x64xf32, #tpu.memory_space<vmem>>) dst(%dma_wait3A_61 : memref<10112x64xf32, #tpu.memory_space<vmem_shared>>)
        tpu.yield
      }) : () -> ()
      "tpu.region"() ({
        %run_scoped3A = tpu.sem_alloc : memref<!tpu.dma_semaphore, #tpu.memory_space<semaphore_mem>>
        %dma_start3A_50 = arith.constant 0 : i32
        %dma_start3A_51 = tpu.memref_slice %arg13[%scan3A_20, %dma_start3A_50] : memref<158x128xi32, #tpu.memory_space<vmem>> -> memref<1x128xi32, #tpu.memory_space<vmem>>
        %dma_start3A_52 = tpu.memref_squeeze %dma_start3A_51 : memref<1x128xi32, #tpu.memory_space<vmem>> -> memref<128xi32, #tpu.memory_space<vmem>>
        %dma_start3A_53 = arith.constant 0 : i32
        %dma_start3A_54 = arith.constant 0 : i32
        %dma_start3A_55 = tpu.memref_slice %arg18[%dma_start3A_53, %dma_start3A_54] : memref<10112x64xf32, #tpu.memory_space<vmem_shared>> -> memref<10112x64xf32, #tpu.memory_space<vmem_shared>>
        tpu.enqueue_indirect_dma source(%arg16 : memref<128x64xf32, #tpu.memory_space<vmem>>) target(%dma_start3A_55 : memref<10112x64xf32, #tpu.memory_space<vmem_shared>>) offsets(%dma_start3A_52 : memref<128xi32, #tpu.memory_space<vmem>>) semaphore(%run_scoped3A : memref<!tpu.dma_semaphore, #tpu.memory_space<semaphore_mem>>) {add = true}
        %dma_wait3A_56 = arith.constant 0 : i32
        %dma_wait3A_57 = tpu.memref_slice %arg13[%scan3A_20, %dma_wait3A_56] : memref<158x128xi32, #tpu.memory_space<vmem>> -> memref<1x128xi32, #tpu.memory_space<vmem>>
        %dma_wait3A_58 = tpu.memref_squeeze %dma_wait3A_57 : memref<1x128xi32, #tpu.memory_space<vmem>> -> memref<128xi32, #tpu.memory_space<vmem>>
        %dma_wait3A_59 = arith.constant 0 : i32
        %dma_wait3A_60 = arith.constant 0 : i32
        %dma_wait3A_61 = tpu.memref_slice %arg18[%dma_wait3A_59, %dma_wait3A_60] : memref<10112x64xf32, #tpu.memory_space<vmem_shared>> -> memref<10112x64xf32, #tpu.memory_space<vmem_shared>>
        tpu.wait_indirect_dma semaphore(%run_scoped3A : memref<!tpu.dma_semaphore, #tpu.memory_space<semaphore_mem>>) src(%arg16 : memref<128x64xf32, #tpu.memory_space<vmem>>) dst(%dma_wait3A_61 : memref<10112x64xf32, #tpu.memory_space<vmem_shared>>)
        tpu.yield
      }) : () -> ()
    }
    %scan3A_9 = arith.constant 158 : i32
    %barrier3A_10 = arith.constant 0 : index
    tpu.barrier barrier_id(%barrier3A_10)
    %mul3A_11 = arith.constant 10112 : i32
    %mul3A_12 = arith.muli %arg0, %mul3A_11 : i32
    %mul3A_13 = arith.constant 632 : i32
    %mul3A_14 = arith.muli %arg1, %mul3A_13 : i32
    %add3A_15 = arith.addi %mul3A_12, %mul3A_14 : i32
    %mul3A_16 = arith.constant 632 : i32
    %mul3A_17 = arith.muli %arg1, %mul3A_16 : i32
    "tpu.region"() ({
      %run_scoped3A = tpu.sem_alloc : memref<!tpu.dma_semaphore, #tpu.memory_space<semaphore_mem>>
      %dma_start3A = arith.constant 0 : i32
      %dma_start3A_20 = tpu.memref_slice %arg10[%add3A_15, %dma_start3A] : memref<20224x64xf32, #tpu.memory_space<hbm>> -> memref<632x64xf32, #tpu.memory_space<hbm>>
      %dma_start3A_21 = arith.constant 0 : i32
      %dma_start3A_22 = tpu.memref_slice %arg18[%mul3A_17, %dma_start3A_21] : memref<10112x64xf32, #tpu.memory_space<vmem_shared>> -> memref<632x64xf32, #tpu.memory_space<vmem_shared>>
      tpu.enqueue_dma source(%dma_start3A_22 : memref<632x64xf32, #tpu.memory_space<vmem_shared>>) target(%dma_start3A_20 : memref<632x64xf32, #tpu.memory_space<hbm>>) target_semaphore(%run_scoped3A : memref<!tpu.dma_semaphore, #tpu.memory_space<semaphore_mem>>)
      %dma_wait3A = arith.constant 0 : i32
      %dma_wait3A_23 = tpu.memref_slice %arg10[%add3A_15, %dma_wait3A] : memref<20224x64xf32, #tpu.memory_space<hbm>> -> memref<632x64xf32, #tpu.memory_space<hbm>>
      %dma_wait3A_24 = arith.constant 0 : i32
      %dma_wait3A_25 = tpu.memref_slice %arg18[%mul3A_17, %dma_wait3A_24] : memref<10112x64xf32, #tpu.memory_space<vmem_shared>> -> memref<632x64xf32, #tpu.memory_space<vmem_shared>>
      tpu.wait_dma2 semaphore(%run_scoped3A : memref<!tpu.dma_semaphore, #tpu.memory_space<semaphore_mem>>) src(%dma_wait3A_25 : memref<632x64xf32, #tpu.memory_space<vmem_shared>>) dst(%dma_wait3A_23 : memref<632x64xf32, #tpu.memory_space<hbm>>)
      tpu.yield
    }) : () -> ()
    %mul3A_18 = arith.constant 632 : i32
    %mul3A_19 = arith.muli %arg1, %mul3A_18 : i32
    "tpu.region"() ({
      %run_scoped3A = tpu.sem_alloc : memref<!tpu.dma_semaphore, #tpu.memory_space<semaphore_mem>>
      %dma_start3A = arith.constant 0 : i32
      %dma_start3A_20 = tpu.memref_slice %arg11[%add3A_15, %dma_start3A] : memref<20224x16xf32, #tpu.memory_space<hbm>> -> memref<632x16xf32, #tpu.memory_space<hbm>>
      %dma_start3A_21 = arith.constant 0 : i32
      %dma_start3A_22 = tpu.memref_slice %arg19[%mul3A_19, %dma_start3A_21] : memref<10112x16xf32, #tpu.memory_space<vmem_shared>> -> memref<632x16xf32, #tpu.memory_space<vmem_shared>>
      tpu.enqueue_dma source(%dma_start3A_22 : memref<632x16xf32, #tpu.memory_space<vmem_shared>>) target(%dma_start3A_20 : memref<632x16xf32, #tpu.memory_space<hbm>>) target_semaphore(%run_scoped3A : memref<!tpu.dma_semaphore, #tpu.memory_space<semaphore_mem>>)
      %dma_wait3A = arith.constant 0 : i32
      %dma_wait3A_23 = tpu.memref_slice %arg11[%add3A_15, %dma_wait3A] : memref<20224x16xf32, #tpu.memory_space<hbm>> -> memref<632x16xf32, #tpu.memory_space<hbm>>
      %dma_wait3A_24 = arith.constant 0 : i32
      %dma_wait3A_25 = tpu.memref_slice %arg19[%mul3A_19, %dma_wait3A_24] : memref<10112x16xf32, #tpu.memory_space<vmem_shared>> -> memref<632x16xf32, #tpu.memory_space<vmem_shared>>
      tpu.wait_dma2 semaphore(%run_scoped3A : memref<!tpu.dma_semaphore, #tpu.memory_space<semaphore_mem>>) src(%dma_wait3A_25 : memref<632x16xf32, #tpu.memory_space<vmem_shared>>) dst(%dma_wait3A_23 : memref<632x16xf32, #tpu.memory_space<hbm>>)
      tpu.yield
    }) : () -> ()
    return
  }
}

module attributes {stable_mosaic.version = 14 : i64} {
  func.func @_tc_a_body(%arg0: memref<10000x128xf32, #tpu.memory_space<vmem>>, %arg1: memref<128x128xf32, #tpu.memory_space<vmem>>, %arg2: memref<10000x128xf32, #tpu.memory_space<vmem>>, %arg3: memref<2x10000x64xf32, #tpu.memory_space<vmem>>) attributes {dimension_semantics = [], scalar_prefetch = 0 : i64, scratch_operands = 0 : i64, tpu.core_type = #tpu.core_type<tc>} {
    %get3A = arith.constant 0 : index
    %get3A_0 = arith.constant 0 : index
    %get3A_1 = vector.load %arg0[%get3A, %get3A_0] : memref<10000x128xf32, #tpu.memory_space<vmem>>, vector<10000x128xf32>
    %mul3A = arith.mulf %get3A_1, %get3A_1 : vector<10000x128xf32>
    %reduce_sum3A = arith.constant dense<0.000000e+00> : vector<10000xf32>
    %reduce_sum3A_2 = vector.multi_reduction <add>, %mul3A, %reduce_sum3A [1] : vector<10000x128xf32> to vector<10000xf32>
    %broadcast_in_dim3A = vector.shape_cast %reduce_sum3A_2 : vector<10000xf32> to vector<10000x1xf32>
    %sqrt3A = math.sqrt %broadcast_in_dim3A : vector<10000x1xf32>
    %max3A = arith.constant 9.99999996E-13 : f32
    %max3A_3 = vector.broadcast %max3A : f32 to vector<10000x1xf32>
    %max3A_4 = arith.maximumf %sqrt3A, %max3A_3 : vector<10000x1xf32>
    %div3A = vector.broadcast %max3A_4 : vector<10000x1xf32> to vector<10000x128xf32>
    %div3A_5 = arith.divf %get3A_1, %div3A : vector<10000x128xf32>
    %swap3A = arith.constant 0 : index
    %swap3A_6 = arith.constant 0 : index
    %swap3A_7 = vector.load %arg2[%swap3A, %swap3A_6] : memref<10000x128xf32, #tpu.memory_space<vmem>>, vector<10000x128xf32>
    tpu.vector_store %arg2[%swap3A, %swap3A_6], %div3A_5 {strides = array<i32>} : memref<10000x128xf32, #tpu.memory_space<vmem>>, vector<10000x128xf32>,
    %get3A_8 = arith.constant 0 : index
    %get3A_9 = arith.constant 0 : index
    %get3A_10 = vector.load %arg1[%get3A_8, %get3A_9] : memref<128x128xf32, #tpu.memory_space<vmem>>, vector<128x128xf32>
    %dot_general3A = arith.constant dense<0.000000e+00> : vector<10000x128xf32>
    %dot_general3A_11 = tpu.matmul %div3A_5, %get3A_10, %dot_general3A {dimension_numbers = #tpu.dot_dimension_numbers<[1], [0], [0], [1], [0, 0, 1, 1], [], []>, transpose_lhs_hint = false} : vector<10000x128xf32>, vector<128x128xf32>, vector<10000x128xf32> -> vector<10000x128xf32>
    %slice3A = vector.extract_strided_slice %dot_general3A_11 {offsets = [0, 0], sizes = [10000, 64], strides = [1, 1]} : vector<10000x128xf32> to vector<10000x64xf32>
    %swap3A_12 = arith.constant 0 : index
    %swap3A_13 = arith.constant 0 : index
    %swap3A_14 = arith.constant 0 : index
    %swap3A_15 = vector.load %arg3[%swap3A_12, %swap3A_13, %swap3A_14] : memref<2x10000x64xf32, #tpu.memory_space<vmem>>, vector<1x10000x64xf32>
    %swap3A_16 = vector.shape_cast %swap3A_15 : vector<1x10000x64xf32> to vector<10000x64xf32>
    %swap3A_17 = vector.shape_cast %slice3A : vector<10000x64xf32> to vector<1x10000x64xf32>
    tpu.vector_store %arg3[%swap3A_12, %swap3A_13, %swap3A_14], %swap3A_17 {strides = array<i32>} : memref<2x10000x64xf32, #tpu.memory_space<vmem>>, vector<1x10000x64xf32>,
    %slice3A_18 = vector.extract_strided_slice %dot_general3A_11 {offsets = [0, 64], sizes = [10000, 64], strides = [1, 1]} : vector<10000x128xf32> to vector<10000x64xf32>
    %swap3A_19 = arith.constant 1 : index
    %swap3A_20 = arith.constant 0 : index
    %swap3A_21 = arith.constant 0 : index
    %swap3A_22 = vector.load %arg3[%swap3A_19, %swap3A_20, %swap3A_21] : memref<2x10000x64xf32, #tpu.memory_space<vmem>>, vector<1x10000x64xf32>
    %swap3A_23 = vector.shape_cast %swap3A_22 : vector<1x10000x64xf32> to vector<10000x64xf32>
    %swap3A_24 = vector.shape_cast %slice3A_18 : vector<10000x64xf32> to vector<1x10000x64xf32>
    tpu.vector_store %arg3[%swap3A_19, %swap3A_20, %swap3A_21], %swap3A_24 {strides = array<i32>} : memref<2x10000x64xf32, #tpu.memory_space<vmem>>, vector<1x10000x64xf32>,
    return
  }
}

module attributes {stable_mosaic.version = 14 : i64} {
  func.func @_tc_b_body(%arg0: memref<1024x128xf32, #tpu.memory_space<vmem>>, %arg1: memref<1024x16xf32, #tpu.memory_space<vmem>>, %arg2: memref<400x128xf32, #tpu.memory_space<vmem>>, %arg3: memref<384x256xf32, #tpu.memory_space<vmem>>, %arg4: memref<384x128xf32, #tpu.memory_space<vmem>>, %arg5: memref<1x384xf32, #tpu.memory_space<vmem>>, %arg6: memref<1x384xf32, #tpu.memory_space<vmem>>, %arg7: memref<128x128xf32, #tpu.memory_space<vmem>>, %arg8: memref<2x400x64xf32, #tpu.memory_space<vmem>>) attributes {dimension_semantics = [], scalar_prefetch = 0 : i64, scratch_operands = 0 : i64, tpu.core_type = #tpu.core_type<tc>} {
    %get3A = arith.constant 0 : index
    %get3A_0 = arith.constant 0 : index
    %get3A_1 = vector.load %arg0[%get3A, %get3A_0] : memref<1024x128xf32, #tpu.memory_space<vmem>>, vector<400x128xf32>
    %get3A_2 = arith.constant 512 : index
    %get3A_3 = arith.constant 0 : index
    %get3A_4 = vector.load %arg0[%get3A_2, %get3A_3] : memref<1024x128xf32, #tpu.memory_space<vmem>>, vector<400x128xf32>
    %add3A = arith.addf %get3A_1, %get3A_4 : vector<400x128xf32>
    %get3A_5 = arith.constant 0 : index
    %get3A_6 = arith.constant 0 : index
    %get3A_7 = vector.load %arg1[%get3A_5, %get3A_6] : memref<1024x16xf32, #tpu.memory_space<vmem>>, vector<400x1xf32>
    %get3A_8 = arith.constant 512 : index
    %get3A_9 = arith.constant 0 : index
    %get3A_10 = vector.load %arg1[%get3A_8, %get3A_9] : memref<1024x16xf32, #tpu.memory_space<vmem>>, vector<400x1xf32>
    %add3A_11 = arith.addf %get3A_7, %get3A_10 : vector<400x1xf32>
    %max3A = arith.constant 1.000000e+00 : f32
    %max3A_12 = vector.broadcast %max3A : f32 to vector<400x1xf32>
    %max3A_13 = arith.maximumf %add3A_11, %max3A_12 : vector<400x1xf32>
    %div3A = vector.broadcast %max3A_13 : vector<400x1xf32> to vector<400x128xf32>
    %div3A_14 = arith.divf %add3A, %div3A : vector<400x128xf32>
    %get3A_15 = arith.constant 0 : index
    %get3A_16 = arith.constant 0 : index
    %get3A_17 = vector.load %arg2[%get3A_15, %get3A_16] : memref<400x128xf32, #tpu.memory_space<vmem>>, vector<400x128xf32>
    %get3A_18 = arith.constant 0 : index
    %get3A_19 = arith.constant 0 : index
    %get3A_20 = vector.load %arg3[%get3A_18, %get3A_19] : memref<384x256xf32, #tpu.memory_space<vmem>>, vector<384x256xf32>
    %get3A_21 = arith.constant 0 : index
    %get3A_22 = arith.constant 0 : index
    %get3A_23 = vector.load %arg4[%get3A_21, %get3A_22] : memref<384x128xf32, #tpu.memory_space<vmem>>, vector<384x128xf32>
    %slice3A = vector.extract_strided_slice %get3A_20 {offsets = [0, 0], sizes = [384, 128], strides = [1, 1]} : vector<384x256xf32> to vector<384x128xf32>
    %dot_general3A = arith.constant dense<0.000000e+00> : vector<400x384xf32>
    %dot_general3A_24 = tpu.matmul %get3A_17, %slice3A, %dot_general3A {dimension_numbers = #tpu.dot_dimension_numbers<[1], [1], [0], [0], [0, 0, 1, 0], [], []>, transpose_lhs_hint = false} : vector<400x128xf32>, vector<384x128xf32>, vector<400x384xf32> -> vector<400x384xf32>
    %slice3A_25 = vector.extract_strided_slice %get3A_20 {offsets = [0, 128], sizes = [384, 128], strides = [1, 1]} : vector<384x256xf32> to vector<384x128xf32>
    %dot_general3A_26 = arith.constant dense<0.000000e+00> : vector<400x384xf32>
    %dot_general3A_27 = tpu.matmul %div3A_14, %slice3A_25, %dot_general3A_26 {dimension_numbers = #tpu.dot_dimension_numbers<[1], [1], [0], [0], [0, 0, 1, 0], [], []>, transpose_lhs_hint = false} : vector<400x128xf32>, vector<384x128xf32>, vector<400x384xf32> -> vector<400x384xf32>
    %add3A_28 = arith.addf %dot_general3A_24, %dot_general3A_27 : vector<400x384xf32>
    %get3A_29 = arith.constant 0 : index
    %get3A_30 = arith.constant 0 : index
    %get3A_31 = vector.load %arg5[%get3A_29, %get3A_30] : memref<1x384xf32, #tpu.memory_space<vmem>>, vector<1x384xf32>
    %add3A_32 = vector.broadcast %get3A_31 : vector<1x384xf32> to vector<400x384xf32>
    %add3A_33 = arith.addf %add3A_28, %add3A_32 : vector<400x384xf32>
    %dot_general3A_34 = arith.constant dense<0.000000e+00> : vector<400x384xf32>
    %dot_general3A_35 = tpu.matmul %get3A_17, %get3A_23, %dot_general3A_34 {dimension_numbers = #tpu.dot_dimension_numbers<[1], [1], [0], [0], [0, 0, 1, 0], [], []>, transpose_lhs_hint = false} : vector<400x128xf32>, vector<384x128xf32>, vector<400x384xf32> -> vector<400x384xf32>
    %get3A_36 = arith.constant 0 : index
    %get3A_37 = arith.constant 0 : index
    %get3A_38 = vector.load %arg6[%get3A_36, %get3A_37] : memref<1x384xf32, #tpu.memory_space<vmem>>, vector<1x384xf32>
    %add3A_39 = vector.broadcast %get3A_38 : vector<1x384xf32> to vector<400x384xf32>
    %add3A_40 = arith.addf %dot_general3A_35, %add3A_39 : vector<400x384xf32>
    %slice3A_41 = vector.extract_strided_slice %add3A_33 {offsets = [0, 0], sizes = [400, 128], strides = [1, 1]} : vector<400x384xf32> to vector<400x128xf32>
    %slice3A_42 = vector.extract_strided_slice %add3A_40 {offsets = [0, 0], sizes = [400, 128], strides = [1, 1]} : vector<400x384xf32> to vector<400x128xf32>
    %add3A_43 = arith.addf %slice3A_41, %slice3A_42 : vector<400x128xf32>
    %logistic3A = arith.negf %add3A_43 : vector<400x128xf32>
    %logistic3A_44 = math.exp %logistic3A : vector<400x128xf32>
    %logistic3A_45 = arith.constant 1.000000e+00 : f32
    %logistic3A_46 = vector.broadcast %logistic3A_45 : f32 to vector<400x128xf32>
    %logistic3A_47 = arith.addf %logistic3A_46, %logistic3A_44 : vector<400x128xf32>
    %logistic3A_48 = arith.divf %logistic3A_46, %logistic3A_47 : vector<400x128xf32>
    %slice3A_49 = vector.extract_strided_slice %add3A_33 {offsets = [0, 128], sizes = [400, 128], strides = [1, 1]} : vector<400x384xf32> to vector<400x128xf32>
    %slice3A_50 = vector.extract_strided_slice %add3A_40 {offsets = [0, 128], sizes = [400, 128], strides = [1, 1]} : vector<400x384xf32> to vector<400x128xf32>
    %add3A_51 = arith.addf %slice3A_49, %slice3A_50 : vector<400x128xf32>
    %logistic3A_52 = arith.negf %add3A_51 : vector<400x128xf32>
    %logistic3A_53 = math.exp %logistic3A_52 : vector<400x128xf32>
    %logistic3A_54 = arith.constant 1.000000e+00 : f32
    %logistic3A_55 = vector.broadcast %logistic3A_54 : f32 to vector<400x128xf32>
    %logistic3A_56 = arith.addf %logistic3A_55, %logistic3A_53 : vector<400x128xf32>
    %logistic3A_57 = arith.divf %logistic3A_55, %logistic3A_56 : vector<400x128xf32>
    %slice3A_58 = vector.extract_strided_slice %add3A_33 {offsets = [0, 256], sizes = [400, 128], strides = [1, 1]} : vector<400x384xf32> to vector<400x128xf32>
    %slice3A_59 = vector.extract_strided_slice %add3A_40 {offsets = [0, 256], sizes = [400, 128], strides = [1, 1]} : vector<400x384xf32> to vector<400x128xf32>
    %mul3A = arith.mulf %logistic3A_48, %slice3A_59 : vector<400x128xf32>
    %add3A_60 = arith.addf %slice3A_58, %mul3A : vector<400x128xf32>
    %tanh3A = math.tanh %add3A_60 : vector<400x128xf32>
    %sub3A = arith.constant 1.000000e+00 : f32
    %sub3A_61 = vector.broadcast %sub3A : f32 to vector<400x128xf32>
    %sub3A_62 = arith.subf %sub3A_61, %logistic3A_57 : vector<400x128xf32>
    %mul3A_63 = arith.mulf %sub3A_62, %tanh3A : vector<400x128xf32>
    %mul3A_64 = arith.mulf %logistic3A_57, %get3A_17 : vector<400x128xf32>
    %add3A_65 = arith.addf %mul3A_63, %mul3A_64 : vector<400x128xf32>
    %mul3A_66 = arith.mulf %add3A_65, %add3A_65 : vector<400x128xf32>
    %reduce_sum3A = arith.constant dense<0.000000e+00> : vector<400xf32>
    %reduce_sum3A_67 = vector.multi_reduction <add>, %mul3A_66, %reduce_sum3A [1] : vector<400x128xf32> to vector<400xf32>
    %broadcast_in_dim3A = vector.shape_cast %reduce_sum3A_67 : vector<400xf32> to vector<400x1xf32>
    %sqrt3A = math.sqrt %broadcast_in_dim3A : vector<400x1xf32>
    %max3A_68 = arith.constant 9.99999996E-13 : f32
    %max3A_69 = vector.broadcast %max3A_68 : f32 to vector<400x1xf32>
    %max3A_70 = arith.maximumf %sqrt3A, %max3A_69 : vector<400x1xf32>
    %div3A_71 = vector.broadcast %max3A_70 : vector<400x1xf32> to vector<400x128xf32>
    %div3A_72 = arith.divf %add3A_65, %div3A_71 : vector<400x128xf32>
    %get3A_73 = arith.constant 0 : index
    %get3A_74 = arith.constant 0 : index
    %get3A_75 = vector.load %arg7[%get3A_73, %get3A_74] : memref<128x128xf32, #tpu.memory_space<vmem>>, vector<128x128xf32>
    %dot_general3A_76 = arith.constant dense<0.000000e+00> : vector<400x128xf32>
    %dot_general3A_77 = tpu.matmul %div3A_72, %get3A_75, %dot_general3A_76 {dimension_numbers = #tpu.dot_dimension_numbers<[1], [0], [0], [1], [0, 0, 1, 1], [], []>, transpose_lhs_hint = false} : vector<400x128xf32>, vector<128x128xf32>, vector<400x128xf32> -> vector<400x128xf32>
    %slice3A_78 = vector.extract_strided_slice %dot_general3A_77 {offsets = [0, 0], sizes = [400, 64], strides = [1, 1]} : vector<400x128xf32> to vector<400x64xf32>
    %swap3A = arith.constant 0 : index
    %swap3A_79 = arith.constant 0 : index
    %swap3A_80 = arith.constant 0 : index
    %swap3A_81 = vector.load %arg8[%swap3A, %swap3A_79, %swap3A_80] : memref<2x400x64xf32, #tpu.memory_space<vmem>>, vector<1x400x64xf32>
    %swap3A_82 = vector.shape_cast %swap3A_81 : vector<1x400x64xf32> to vector<400x64xf32>
    %swap3A_83 = vector.shape_cast %slice3A_78 : vector<400x64xf32> to vector<1x400x64xf32>
    tpu.vector_store %arg8[%swap3A, %swap3A_79, %swap3A_80], %swap3A_83 {strides = array<i32>} : memref<2x400x64xf32, #tpu.memory_space<vmem>>, vector<1x400x64xf32>,
    %slice3A_84 = vector.extract_strided_slice %dot_general3A_77 {offsets = [0, 64], sizes = [400, 64], strides = [1, 1]} : vector<400x128xf32> to vector<400x64xf32>
    %swap3A_85 = arith.constant 1 : index
    %swap3A_86 = arith.constant 0 : index
    %swap3A_87 = arith.constant 0 : index
    %swap3A_88 = vector.load %arg8[%swap3A_85, %swap3A_86, %swap3A_87] : memref<2x400x64xf32, #tpu.memory_space<vmem>>, vector<1x400x64xf32>
    %swap3A_89 = vector.shape_cast %swap3A_88 : vector<1x400x64xf32> to vector<400x64xf32>
    %swap3A_90 = vector.shape_cast %slice3A_84 : vector<400x64xf32> to vector<1x400x64xf32>
    tpu.vector_store %arg8[%swap3A_85, %swap3A_86, %swap3A_87], %swap3A_90 {strides = array<i32>} : memref<2x400x64xf32, #tpu.memory_space<vmem>>, vector<1x400x64xf32>,
    return
  }
}

module attributes {stable_mosaic.version = 14 : i64} {
  func.func @_tc_c_body(%arg0: i32, %arg1: memref<2x1000x64xf32, #tpu.memory_space<vmem>>, %arg2: memref<2x1000x16xf32, #tpu.memory_space<vmem>>, %arg3: memref<1000x128xf32, #tpu.memory_space<vmem>>, %arg4: memref<128x128xf32, #tpu.memory_space<vmem>>, %arg5: memref<128x128xf32, #tpu.memory_space<vmem>>, %arg6: memref<128x128xf32, #tpu.memory_space<vmem>>, %arg7: memref<1x128xf32, #tpu.memory_space<vmem>>, %arg8: memref<1000x128xf32, #tpu.memory_space<vmem>>) attributes {dimension_semantics = [#tpu.dimension_semantics<arbitrary>], iteration_bounds = array<i64: 10>, scalar_prefetch = 0 : i64, scratch_operands = 0 : i64, tpu.core_type = #tpu.core_type<tc>, window_params = [{transform_indices = @transform_0, window_bounds = array<i64: 2, 1000, 64>}, {transform_indices = @transform_1, window_bounds = array<i64: 2, 1000, 16>}, {transform_indices = @transform_2, window_bounds = array<i64: 1000, 128>}, {pipeline_mode = #tpu.pipeline_mode<synchronous>, transform_indices = @transform_3, window_bounds = array<i64: 128, 128>}, {pipeline_mode = #tpu.pipeline_mode<synchronous>, transform_indices = @transform_4, window_bounds = array<i64: 128, 128>}, {pipeline_mode = #tpu.pipeline_mode<synchronous>, transform_indices = @transform_5, window_bounds = array<i64: 128, 128>}, {pipeline_mode = #tpu.pipeline_mode<synchronous>, transform_indices = @transform_6, window_bounds = array<i64: 1, 128>}, {transform_indices = @transform_7, window_bounds = array<i64: 1000, 128>}]} {
    %get3A = arith.constant 0 : index
    %get3A_0 = arith.constant 0 : index
    %get3A_1 = arith.constant 0 : index
    %get3A_2 = vector.load %arg1[%get3A, %get3A_0, %get3A_1] : memref<2x1000x64xf32, #tpu.memory_space<vmem>>, vector<1x1000x64xf32>
    %get3A_3 = vector.shape_cast %get3A_2 : vector<1x1000x64xf32> to vector<1000x64xf32>
    %get3A_4 = arith.constant 1 : index
    %get3A_5 = arith.constant 0 : index
    %get3A_6 = arith.constant 0 : index
    %get3A_7 = vector.load %arg1[%get3A_4, %get3A_5, %get3A_6] : memref<2x1000x64xf32, #tpu.memory_space<vmem>>, vector<1x1000x64xf32>
    %get3A_8 = vector.shape_cast %get3A_7 : vector<1x1000x64xf32> to vector<1000x64xf32>
    %concatenate3A = tpu.concatenate %get3A_3, %get3A_8 in 1 : vector<1000x64xf32>, vector<1000x64xf32> -> vector<1000x128xf32>
    %get3A_9 = arith.constant 0 : index
    %get3A_10 = arith.constant 0 : index
    %get3A_11 = arith.constant 0 : index
    %get3A_12 = vector.load %arg2[%get3A_9, %get3A_10, %get3A_11] : memref<2x1000x16xf32, #tpu.memory_space<vmem>>, vector<1x1000x1xf32>
    %get3A_13 = vector.shape_cast %get3A_12 : vector<1x1000x1xf32> to vector<1000x1xf32>
    %get3A_14 = arith.constant 1 : index
    %get3A_15 = arith.constant 0 : index
    %get3A_16 = arith.constant 0 : index
    %get3A_17 = vector.load %arg2[%get3A_14, %get3A_15, %get3A_16] : memref<2x1000x16xf32, #tpu.memory_space<vmem>>, vector<1x1000x1xf32>
    %get3A_18 = vector.shape_cast %get3A_17 : vector<1x1000x1xf32> to vector<1000x1xf32>
    %add3A = arith.addf %get3A_13, %get3A_18 : vector<1000x1xf32>
    %get3A_19 = arith.constant 0 : index
    %get3A_20 = arith.constant 0 : index
    %get3A_21 = vector.load %arg3[%get3A_19, %get3A_20] : memref<1000x128xf32, #tpu.memory_space<vmem>>, vector<1000x128xf32>
    %max3A = arith.constant 1.000000e+00 : f32
    %max3A_22 = vector.broadcast %max3A : f32 to vector<1000x1xf32>
    %max3A_23 = arith.maximumf %add3A, %max3A_22 : vector<1000x1xf32>
    %div3A = arith.constant 1.000000e+00 : f32
    %div3A_24 = vector.broadcast %div3A : f32 to vector<1000x1xf32>
    %div3A_25 = arith.divf %div3A_24, %max3A_23 : vector<1000x1xf32>
    %gt3A = arith.constant 0.000000e+00 : f32
    %gt3A_26 = vector.broadcast %gt3A : f32 to vector<1000x1xf32>
    %gt3A_27 = arith.cmpf ogt, %add3A, %gt3A_26 : vector<1000x1xf32>
    %get3A_28 = arith.constant 0 : index
    %get3A_29 = arith.constant 0 : index
    %get3A_30 = vector.load %arg4[%get3A_28, %get3A_29] : memref<128x128xf32, #tpu.memory_space<vmem>>, vector<128x128xf32>
    %dot_general3A = arith.constant dense<0.000000e+00> : vector<1000x128xf32>
    %dot_general3A_31 = tpu.matmul %get3A_21, %get3A_30, %dot_general3A {dimension_numbers = #tpu.dot_dimension_numbers<[1], [0], [0], [1], [0, 0, 1, 1], [], []>, transpose_lhs_hint = false} : vector<1000x128xf32>, vector<128x128xf32>, vector<1000x128xf32> -> vector<1000x128xf32>
    %get3A_32 = arith.constant 0 : index
    %get3A_33 = arith.constant 0 : index
    %get3A_34 = vector.load %arg5[%get3A_32, %get3A_33] : memref<128x128xf32, #tpu.memory_space<vmem>>, vector<128x128xf32>
    %dot_general3A_35 = arith.constant dense<0.000000e+00> : vector<1000x128xf32>
    %dot_general3A_36 = tpu.matmul %get3A_21, %get3A_34, %dot_general3A_35 {dimension_numbers = #tpu.dot_dimension_numbers<[1], [0], [0], [1], [0, 0, 1, 1], [], []>, transpose_lhs_hint = false} : vector<1000x128xf32>, vector<128x128xf32>, vector<1000x128xf32> -> vector<1000x128xf32>
    %broadcast_in_dim3A = vector.shape_cast %gt3A_27 : vector<1000x1xi1> to vector<1000x1xi1>
    %broadcast_in_dim3A_37 = vector.broadcast %broadcast_in_dim3A : vector<1000x1xi1> to vector<1000x128xi1>
    %select_n3A = arith.select %broadcast_in_dim3A_37, %dot_general3A_31, %dot_general3A_36 : vector<1000x128xi1>, vector<1000x128xf32>
    %mul3A = vector.broadcast %div3A_25 : vector<1000x1xf32> to vector<1000x128xf32>
    %mul3A_38 = arith.mulf %concatenate3A, %mul3A : vector<1000x128xf32>
    %add3A_39 = arith.addf %mul3A_38, %select_n3A : vector<1000x128xf32>
    %ge3A = arith.constant 0.000000e+00 : f32
    %ge3A_40 = vector.broadcast %ge3A : f32 to vector<1000x128xf32>
    %ge3A_41 = arith.cmpf oge, %add3A_39, %ge3A_40 : vector<1000x128xf32>
    %mul3A_42 = arith.constant 0.229166672 : f32
    %mul3A_43 = vector.broadcast %mul3A_42 : f32 to vector<1000x128xf32>
    %mul3A_44 = arith.mulf %add3A_39, %mul3A_43 : vector<1000x128xf32>
    %select_n3A_45 = arith.select %ge3A_41, %add3A_39, %mul3A_44 : vector<1000x128xi1>, vector<1000x128xf32>
    %mul3A_46 = arith.mulf %select_n3A_45, %select_n3A_45 : vector<1000x128xf32>
    %reduce_sum3A = arith.constant dense<0.000000e+00> : vector<1000xf32>
    %reduce_sum3A_47 = vector.multi_reduction <add>, %mul3A_46, %reduce_sum3A [1] : vector<1000x128xf32> to vector<1000xf32>
    %broadcast_in_dim3A_48 = vector.shape_cast %reduce_sum3A_47 : vector<1000xf32> to vector<1000x1xf32>
    %sqrt3A = math.sqrt %broadcast_in_dim3A_48 : vector<1000x1xf32>
    %max3A_49 = arith.constant 9.99999996E-13 : f32
    %max3A_50 = vector.broadcast %max3A_49 : f32 to vector<1000x1xf32>
    %max3A_51 = arith.maximumf %sqrt3A, %max3A_50 : vector<1000x1xf32>
    %div3A_52 = vector.broadcast %max3A_51 : vector<1000x1xf32> to vector<1000x128xf32>
    %div3A_53 = arith.divf %select_n3A_45, %div3A_52 : vector<1000x128xf32>
    %get3A_54 = arith.constant 0 : index
    %get3A_55 = arith.constant 0 : index
    %get3A_56 = vector.load %arg6[%get3A_54, %get3A_55] : memref<128x128xf32, #tpu.memory_space<vmem>>, vector<128x128xf32>
    %dot_general3A_57 = arith.constant dense<0.000000e+00> : vector<1000x128xf32>
    %dot_general3A_58 = tpu.matmul %get3A_21, %get3A_56, %dot_general3A_57 {dimension_numbers = #tpu.dot_dimension_numbers<[1], [0], [0], [1], [0, 0, 1, 1], [], []>, transpose_lhs_hint = false} : vector<1000x128xf32>, vector<128x128xf32>, vector<1000x128xf32> -> vector<1000x128xf32>
    %get3A_59 = arith.constant 0 : index
    %get3A_60 = arith.constant 0 : index
    %get3A_61 = vector.load %arg7[%get3A_59, %get3A_60] : memref<1x128xf32, #tpu.memory_space<vmem>>, vector<1x128xf32>
    %add3A_62 = vector.broadcast %get3A_61 : vector<1x128xf32> to vector<1000x128xf32>
    %add3A_63 = arith.addf %dot_general3A_58, %add3A_62 : vector<1000x128xf32>
    %logistic3A = arith.negf %add3A_63 : vector<1000x128xf32>
    %logistic3A_64 = math.exp %logistic3A : vector<1000x128xf32>
    %logistic3A_65 = arith.constant 1.000000e+00 : f32
    %logistic3A_66 = vector.broadcast %logistic3A_65 : f32 to vector<1000x128xf32>
    %logistic3A_67 = arith.addf %logistic3A_66, %logistic3A_64 : vector<1000x128xf32>
    %logistic3A_68 = arith.divf %logistic3A_66, %logistic3A_67 : vector<1000x128xf32>
    %mul3A_69 = arith.mulf %logistic3A_68, %div3A_53 : vector<1000x128xf32>
    %sub3A = arith.constant 1.000000e+00 : f32
    %sub3A_70 = vector.broadcast %sub3A : f32 to vector<1000x128xf32>
    %sub3A_71 = arith.subf %sub3A_70, %logistic3A_68 : vector<1000x128xf32>
    %mul3A_72 = arith.mulf %sub3A_71, %get3A_21 : vector<1000x128xf32>
    %add3A_73 = arith.addf %mul3A_69, %mul3A_72 : vector<1000x128xf32>
    %swap3A = arith.constant 0 : index
    %swap3A_74 = arith.constant 0 : index
    %swap3A_75 = vector.load %arg8[%swap3A, %swap3A_74] : memref<1000x128xf32, #tpu.memory_space<vmem>>, vector<1000x128xf32>
    tpu.vector_store %arg8[%swap3A, %swap3A_74], %add3A_73 {strides = array<i32>} : memref<1000x128xf32, #tpu.memory_space<vmem>>, vector<1000x128xf32>,
    return
  }
  func.func @transform_0(%arg0: i32) -> (i32, i32, i32) {
    %c0_i32 = arith.constant 0 : i32
    %c0_i32_0 = arith.constant 0 : i32
    %c0_i32_1 = arith.constant 0 : i32
    return %c0_i32, %arg0, %c0_i32_0 : i32, i32, i32
  }
  func.func @transform_1(%arg0: i32) -> (i32, i32, i32) {
    %c0_i32 = arith.constant 0 : i32
    %c0_i32_0 = arith.constant 0 : i32
    %c0_i32_1 = arith.constant 0 : i32
    return %c0_i32, %arg0, %c0_i32_0 : i32, i32, i32
  }
  func.func @transform_2(%arg0: i32) -> (i32, i32) {
    %c0_i32 = arith.constant 0 : i32
    %c0_i32_0 = arith.constant 0 : i32
    return %arg0, %c0_i32 : i32, i32
  }
  func.func @transform_3(%arg0: i32) -> (i32, i32) {
    %c0_i32 = arith.constant 0 : i32
    %c0_i32_0 = arith.constant 0 : i32
    %c0_i32_1 = arith.constant 0 : i32
    return %c0_i32, %c0_i32_0 : i32, i32
  }
  func.func @transform_4(%arg0: i32) -> (i32, i32) {
    %c0_i32 = arith.constant 0 : i32
    %c0_i32_0 = arith.constant 0 : i32
    %c0_i32_1 = arith.constant 0 : i32
    return %c0_i32, %c0_i32_0 : i32, i32
  }
  func.func @transform_5(%arg0: i32) -> (i32, i32) {
    %c0_i32 = arith.constant 0 : i32
    %c0_i32_0 = arith.constant 0 : i32
    %c0_i32_1 = arith.constant 0 : i32
    return %c0_i32, %c0_i32_0 : i32, i32
  }
  func.func @transform_6(%arg0: i32) -> (i32, i32) {
    %c0_i32 = arith.constant 0 : i32
    %c0_i32_0 = arith.constant 0 : i32
    %c0_i32_1 = arith.constant 0 : i32
    return %c0_i32, %c0_i32_0 : i32, i32
  }
  func.func @transform_7(%arg0: i32) -> (i32, i32) {
    %c0_i32 = arith.constant 0 : i32
    %c0_i32_0 = arith.constant 0 : i32
    return %arg0, %c0_i32 : i32, i32
  }
}

</mosaic_0001>

<sc_bundles>
// kernel: kernel.10.cloned.1.call-start
scs
__scs_entry_jumppad:
0x0: {  	(pc) =	sbr.rel $0x88, $3  }
0x1: {  	(tag) =	ssettag $0x0;
	lr =	simm.s32 $0x1  }
0x2: {  	[smem:$0x3F91] =	sst lr;
	_ =	strace $0xD0000000  }
0x3: {  	_ = 	snop  }
0x4: {  	_ = 	snop  }
0x5: {  	_ = 	snop  }
0x6: {  	_ = 	snop  }
0x7: {  	_ = 	snop  }
__scs_overlays_trampoline_lowered:
0x8: {  	[smem:$0x3FA0] =	sst s0  }
0x9: {  	[smem:$0x3FA1] =	sst s1  }
0xa: {  	[smem:$0x3FA2] =	sst s2  }
0xb: {  	[smem:$0x3FA3] =	sst s3  }
0xc: {  	[smem:$0x3FA4] =	sst s4  }
0xd: {  	[smem:$0x3FA5] =	sst s5  }
0xe: {  	[smem:$0x3FA6] =	sst s6  }
0xf: {  	[smem:$0x3FA7] =	sst s7  }
0x10: {  	[smem:$0x3FA8] =	sst s8  }
0x11: {  	[smem:$0x3FA9] =	sst s9;
	s0 =	simm.s32 @!p0 $0x0  }
0x12: {  	s1 =	sld [smem:$0x3F8F];
	s0 =	simm.s32 @p0 $0x1  }
0x13: {  	[smem:$0x3FAA] =	sst s0;
	s0 =	simm.s32 @!p1 $0x0  }
0x14: {  	s2 =	sld [smem:$0x3F8E];
	s0 =	simm.s32 @p1 $0x1  }
0x15: {  	[smem:$0x3FAB] =	sst s0;
	s0 =	simm.s32 @!p2 $0x0  }
0x16: {  	s3 =	sld [smem:$0x3FDB];
	s0 =	simm.s32 @p2 $0x1  }
0x17: {  	s4 =	simm.s32 $0x1BF5;
	[smem:$0x3FAD] =	sst s0  }
0x18: {  	s0 =	sld [smem:$0x3F90];
	_ =	swait.ge [sflag:s4], $0x0  }
0x19: {  	s7 =	sld [smem:$0x3F91]  }
0x1a: {  	s8 =	sadd.s32 $0xFFFFE003, lr  }
0x1b: {  	s9 =	sadd.s32 $0xFFFFFEF7, lr;
	s5 =	simm.s32 $0xFFFFFFFF;
	p2 =	slt.u32 s8, $0xFFFFF086  }
0x1c: {  	p1 =	slt.u32 s9, $0xF7A;
	s5 =	simm.s32 @!p2 $0x0  }
0x1d: {  	s5 =	simm.s32 @p1 $0x1;
	p0 =	seq.s32 s7, s2  }
0x1e: {  	s7 =	smul.u32 @!p0 $0xF7A, s2;
	p2 =	seq.s32 @!p0 s5, $0x0  }
0x1f: {  	s9 =	smul.u32 $0xF7A, s1;
	s8 =	simm.s32 @!p0 $0x1BF5;
	p2 =	por !p2, p0  }
0x20: {  	[sflag:s8] =	ssyncset.s32 @!p0 $0xFFFFF086;
	s6 =	sadd.s32 @!p0 s3, s7;
	s7 =	simm.s32 @!p0 $0x108  }
0x21: {  	s3 =	sadd.s32 s3, s9;
	s6 =	sadd.s32 @!p0 $0x88, s6;
	s7 =	simm.s32 @p2 $0x1082  }
0x22: {  	[simem:s7], [sflag:s8] =	dma.local @!p0 [hbm:s6], $0xF7A  }
0x23: {  	s9 =	sor.u32 $0xD0000000, s2;
	s6 =	simm.s32 $0x108;
	_ =	swait.ge @!p0 [sflag:s8], $0x0  }
0x24: {  	s3 =	sadd.s32 $0x88, s3;
	s6 =	simm.s32 @!p1 $0x1082;
	[sflag:s4] =	ssyncset.s32 $0xFFFFF086  }
0x25: {  	[simem:s6], [sflag:s4] =	dma.local [hbm:s3], $0xF7A  }
0x26: {  	[smem:$0x3F91] =	sst s1;
	(tag) =	ssettag s2;
	_ =	strace s9  }
0x27: {  	s1 =	sld [smem:$0x3FA1]  }
0x28: {  	s2 =	sld [smem:$0x3FA2]  }
0x29: {  	s4 =	sld [smem:$0x3FA4]  }
0x2a: {  	p0 =	seq.s32 s5, $0x0;
	s5 =	sld [smem:$0x3FA5]  }
0x2b: {  	s6 =	sld [smem:$0x3FA6]  }
0x2c: {  	s7 =	sld [smem:$0x3FA7]  }
0x2d: {  	s3 =	simm.s32 $0x108;
	s8 =	sld [smem:$0x3FA8]  }
0x2e: {  	s3 =	simm.s32 @!p0 $0x1082;
	s9 =	sld [smem:$0x3FA9]  }
0x2f: {  	lr =	sadd.s32 s0, s3;
	s0 =	sld [smem:$0x3FA0]  }
0x30: {  	s3 =	sld [smem:$0x3FA3]  }
0x31: {  	[smem:$0x3FAC] =	sst s10  }
0x32: {  	s10 =	sld [smem:$0x3FAA];
	_ =	sdelay $0x3  }
0x33: {  	p0 =	seq.s32 s10, $0x1;
	s10 =	sld [smem:$0x3FAC];
	_ =	sdelay $0x3  }
0x34: {  	[smem:$0x3FAC] =	sst s10  }
0x35: {  	s10 =	sld [smem:$0x3FAB];
	_ =	sdelay $0x3  }
0x36: {  	p1 =	seq.s32 s10, $0x1;
	s10 =	sld [smem:$0x3FAC];
	_ =	sdelay $0x3  }
0x37: {  	[smem:$0x3FAC] =	sst s10  }
0x38: {  	s10 =	sld [smem:$0x3FAD]  }
0x39: {  	_ = 	snop;
	(pc) =	sbr.ind lr, $3  }
0x3a: {  	_ = 	snop  }
0x3b: {  	_ = 	snop  }
0x3c: {  	p2 =	seq.s32 s10, $0x1;
	s10 =	sld [smem:$0x3FAC]  }
0x3d: {  	_ =	shalt  }
0x3e: {  	_ =	shalt  }
0x3f: {  	_ =	shalt  }
0x40: {  	_ =	shalt  }
0x41: {  	_ =	shalt  }
0x42: {  	_ =	shalt  }
0x43: {  	_ =	shalt  }
0x44: {  	_ =	shalt  }
0x45: {  	_ =	shalt  }
0x46: {  	_ =	shalt  }
0x47: {  	_ =	shalt  }
0x48: {  	_ =	shalt  }
0x49: {  	_ =	shalt  }
0x4a: {  	_ =	shalt  }
0x4b: {  	_ =	shalt  }
0x4c: {  	_ =	shalt  }
0x4d: {  	_ =	shalt  }
0x4e: {  	_ =	shalt  }
0x4f: {  	_ =	shalt  }
0x50: {  	_ =	shalt  }
0x51: {  	_ =	shalt  }
0x52: {  	_ =	shalt  }
0x53: {  	_ =	shalt  }
0x54: {  	_ =	shalt  }
0x55: {  	_ =	shalt  }
0x56: {  	_ =	shalt  }
0x57: {  	_ =	shalt  }
0x58: {  	_ =	shalt  }
0x59: {  	_ =	shalt  }
0x5a: {  	_ =	shalt  }
0x5b: {  	_ =	shalt  }
0x5c: {  	_ =	shalt  }
0x5d: {  	_ =	shalt  }
0x5e: {  	_ =	shalt  }
0x5f: {  	_ =	shalt  }
0x60: {  	_ =	shalt  }
0x61: {  	_ =	shalt  }
0x62: {  	_ =	shalt  }
0x63: {  	_ =	shalt  }
0x64: {  	_ =	shalt  }
0x65: {  	_ =	shalt  }
0x66: {  	_ =	shalt  }
0x67: {  	_ =	shalt  }
0x68: {  	_ =	shalt  }
0x69: {  	_ =	shalt  }
0x6a: {  	_ =	shalt  }
0x6b: {  	_ =	shalt  }
0x6c: {  	_ =	shalt  }
0x6d: {  	_ =	shalt  }
0x6e: {  	_ =	shalt  }
0x6f: {  	_ =	shalt  }
0x70: {  	_ =	shalt  }
0x71: {  	_ =	shalt  }
0x72: {  	_ =	shalt  }
0x73: {  	_ =	shalt  }
0x74: {  	_ =	shalt  }
0x75: {  	_ =	shalt  }
0x76: {  	_ =	shalt  }
0x77: {  	_ =	shalt  }
0x78: {  	_ =	shalt  }
0x79: {  	_ =	shalt  }
0x7a: {  	_ =	shalt  }
0x7b: {  	_ =	shalt  }
0x7c: {  	_ =	shalt  }
0x7d: {  	_ =	shalt  }
0x7e: {  	_ =	shalt  }
0x7f: {  	_ =	shalt  }
0x80: {  	_ =	shalt  }
0x81: {  	_ =	shalt  }
0x82: {  	_ =	shalt  }
0x83: {  	_ =	shalt  }
0x84: {  	_ =	shalt  }
0x85: {  	_ =	shalt  }
0x86: {  	_ =	shalt  }
0x87: {  	_ =	shalt  }
.Lfunc_end0:
.L_simem_size_0:
called_computation.1_lowered:
.L_overlay_start_0:
0x88: {  	s2 =	sld [smem:$0x3FD9]  }
0x89: {  	s3 =	sld [smem:$0x3FFE];
	_ =	sdelay $0x1  }
0x8a: {  	s1 =	srdreg.scid  }
0x8b: {  	s0 =	sand.u32 $0x1, s1  }
0x8c: {  	s17 =	sshll.u32 s0, $0xA;
	s2 =	sadd.s32 s3, s2  }
0x8d: {  	s2 =	sadd.s32 s2, s17  }
0x8e: {  	[smem:$0x3FB8] =	sst s2  }
0x8f: {  	_ = 	snop  }
0x90: {  	s2 =	sld [smem:$0x3FD0];
	(tm) =	ssettm $0x1  }
0x91: {  	s18 =	sld [smem:$0x3FFB];
	_ =	sdelay $0x3  }
0x92: {  	_ =	strace s18  }
0x93: {  	s3 =	sld [smem:$0x3FFC];
	_ =	sdelay $0x3  }
0x94: {  	_ =	strace s3  }
0x95: {  	s3 =	sld [smem:$0x3FFD];
	_ =	sdelay $0x3  }
0x96: {  	_ =	strace s3  }
0x97: {  	_ =	strace $0x8FFFFFFF  }
0x98: {  	s19 =	sld [smem:$0x3FDB];
	_ =	sdelay $0x1  }
0x99: {  	s4 =	simm.s32 $_scs_section_size  }
0x9a: {  	s5 =	simm.s32 $_size__tile_overlayer_lowered;
	s6 =	simm.s32 $_tile_overlayer_lowered  }
0x9b: {  	s22 =	simm.s32 $0x1BFF;
	s21 =	sshll.u32 s6, $0x1;
	s3 =	sadd.s32 s4, s19  }
0x9c: {  	s7 =	simm.s32 $0x0;
	s20 =	sshll.u32 s5, $0x1;
	s5 =	sadd.s32 s21, s3  }
0x9d: {  	[timem:s7], [sflag:s22] =	dma.local [hbm:s5], s20  }
0x9e: {  	_ =	swait.ge [sflag:s22], s20  }
0x9f: {  	s4 =	ssub.s32 $0x0, s20;
	[sflag:s22] =	ssyncset.done $0x0  }
0xa0: {  	[sflag:s22] =	ssyncadd.s32 s4;
	_ =	sdelay $0x1  }
0xa1: {  	s23 =	simm.s32 $0x1B8B  }
0xa2: {  	_ =	swait.ge [sflag:s23], $0x1  }
0xa3: {  	[sflag:s23] =	ssyncset.done $0x0  }
0xa4: {  	s25 =	simm.s32 $0x1B8E;
	s24 =	sld [smem:$0x3FFE];
	[sflag:s23] =	ssyncadd.s32 $0xFFFFFFFF  }
0xa5: {  	s26 =	simm.s32 $execute0_lowered;
	[smem:$0x3FD2] =	sst s25  }
0xa6: {  	s5 =	sshll.u32 s26, $0x1;
	_ =	strace $0x80000049;
	[dreg:$0x1] =	wrdreg $0xFFFFFFFF  }
0xa7: {  	s28 =	simm.s32 $_size_execute0_lowered;
	s3 =	sadd.s32 s3, s5;
	[dreg:$0x0] =	wrdreg $0x0  }
0xa8: {  	s5 =	sshll.u32 s28, $0x1;
	[dreg:$0x2] =	wrdreg s3  }
0xa9: {  	[dreg:$0x3] =	wrdreg s5  }
0xaa: {  	[dreg:$0x4] =	wrdreg $0xC0  }
0xab: {  	_ =	task [dreg:s7], $0x5FFFF  }
0xac: {  	[dreg:$0x1] =	wrdreg $0xFFFFFFFF  }
0xad: {  	[dreg:$0x0] =	wrdreg $0x60  }
0xae: {  	[dreg:$0x2] =	wrdreg s2  }
0xaf: {  	[dreg:$0x3] =	wrdreg s24  }
0xb0: {  	[dreg:$0x4] =	wrdreg $0x135000  }
0xb1: {  	[dreg:$0x5] =	wrdreg $0x1D3000  }
0xb2: {  	[dreg:$0x6] =	wrdreg $0x9  }
0xb3: {  	_ =	task.clear_ibuf [dreg:s7], $0x7FFFF;
	_ =	strace $0x90000049  }
0xb4: {  	s29 =	simm.s32 $0x9;
	_ =	strace $0x8000004B  }
0xb5: {  	_ =	swait.ge [sflag:s29], $0x1  }
0xb6: {  	[sflag:s29] =	ssyncadd.s32 $0xFFFFFFFF  }
0xb7: {  	_ =	strace $0x9000004B  }
0xb8: {  	_ =	sfence  }
0xb9: {  	s30 =	sld [smem:$0x0];
	_ =	sdelay $0x2  }
0xba: {  	s31 =	sshll.u32 s1, $0xD;
	s1 =	sshrl.u32 s1, $0x2  }
0xbb: {  	s3 =	sand.u32 $0x4000, s31;
	s1 =	sadd.s32 s1, s30  }
0xbc: {  	s0 =	sor.u32 s3, s0;
	s1 =	sshll.u32 s1, $0x11  }
0xbd: {  	s0 =	sor.u32 s1, s0  }
0xbe: {  	s0 =	sadd.s32 $0x8F2B, s0  }
0xbf: {  	[sflag:s0] =	ssyncadd.remote.s32 $0x1  }
0xc0: {  	_ =	sfence.sel $0xFFFF  }
0xc1: {  	[dreg:$0x0] =	wrdreg $0xFFFFFFFF;
	(pc) =	sbr.abs _section_cstart, $3  }
0xc2: {  	[dreg:$0x1] =	wrdreg $0xFFFFFFFF  }
0xc3: {  	_ =	task.clear_ibuf [dreg:s7], $0x2FFFF;
	_ =	strace $0x9FFFFFFF  }
0xc4: {  	(tm) =	ssettm $0x7FFFFFFF  }
0xc5: {  	_ =	shalt  }
tec
execute0_lowered:
.L_overlay_start_1:
0x0: {  	(tag) =	ssettag $0x1  }
0x1: {  	s0 =	srdreg.scid;
	s1 =	rddreg [dreg:$0x0]  }
0x2: {  	s2 =	rddreg [dreg:$0x1];
	s19 =	stileid.u32  }
0x3: {  	s3 =	rddreg [dreg:$0x2];
	s18 =	simm.s32 $0x3;
	s28 =	simm.s32 $0x2  }
0x4: {  	s29 =	simm.s32 $0x0;
	s0 =	sand.u32 $0x1, s0;
	s7 =	smul.u32 $0x9E0, s19  }
0x5: {  	s9 =	smul.u32 $0x278, s19;
	s6 =	sadd.s32 $0x3F600, s2;
	s22 =	sadd.s32 $0x41600, s2  }
0x6: {  	s23 =	sadd.s32 $0x41000, s2;
	s24 =	sadd.s32 $0x3F400, s2;
	s16 =	smul.u32 $0x27800, s19  }
0x7: {  	s26 =	smul.u32 $0x9E00, s19;
	s31 =	sshll.u32 s19, $0x6;
	s4 =	sshll.u32 s0, $0x4  }
0x8: {  	s10 =	smul.u32 $0x2780, s0;
	s25 =	ssub.s32 $0x2, s0;
	s20 =	sor.u32 $0x1C03, s31  }
0x9: {  	s5 =	sor.u32 s19, s4;
	s4 =	rddreg [dreg:$0x3];
	s11 =	sadd.s32 s7, s2  }
0xa: {  	s14 =	sshrl.u32 s25, $0x1;
	s30 =	sshrl.u32 s16, $0x2;
	s8 =	smul.u32 $0x9E0, s5  }
0xb: {  	s5 =	simm.s32 $0x0;
	s10 =	sadd.s32 s9, s10;
	s17 =	ssub.s32 s25, s14  }
0xc: {  	s11 =	sadd.s32 $0x6B800, s11;
	s14 =	sshrl.u32 s26, $0x2;
	s25 =	simm.s32 $0x10D00  }
0xd: {  	s26 =	simm.s32 $0x1;
	[smem:$0x7FF] =	sst s5;
	s12 =	sshll.u32 s10, $0x3  }
0xe: {  	s10 =	sshll.u32 s10, $0x1;
	_ =	strace $0x8000004A;
	[dreg:$0x5] =	wrdreg s22  }
0xf: {  	s17 =	smax.u32 s17, $0x1;
	s13 =	sadd.s32 s8, s2;
	[dreg:$0x6] =	wrdreg s23  }
0x10: {  	[dreg:$0x7] =	wrdreg s24;
	s15 =	sadd.s32 s12, s2;
	s2 =	sadd.s32 s10, s2  }
0x11: {  	s12 =	smul.u32 $0x4F, s0;
	s0 =	sadd.s32 s30, s3;
	s22 =	sadd.s32 s14, s4  }
0x12: {  	s23 =	simm.s32 $0x80;
	s24 =	simm.s32 $0xED00;
	s10 =	sadd.s32 $0x57C00, s13  }
0x13: {  	s13 =	sadd.s32 $0x44000, s13;
	s15 =	sadd.s32 $0x75600, s15;
	s16 =	sadd.s32 $0x4400, s2  }
0x14: {  	s21 =	sshrl.u32 s0, $0x3;
	s22 =	sshrl.u32 s22, $0x3;
	s14 =	sadd.s32 $0x4F, s12  }
.LBB2_1:
0x15: {  	[tilespmem:s5], [sflag:$0x3] =	stream.linear.gather [hbm4b:s10+s5], $0x4F00, $0x38;
	[tilespmem:$0x1FA80] =	vst v63  }
0x16: {  	_ =	swait.ge [sflag:s18], $0x4F00  }
0x17: {  	[sflag:s18] =	ssyncset.done $0x0  }
0x18: {  	s0 =	simm.s32 $0x4F00;
	[sflag:s18] =	ssyncadd.s32 $0xFFFFB100  }
0x19: {  	[tilespmem:s0], [sflag:$0x3] =	stream.linear.gather [hbm4b:s11+s5], $0x4F00, $0x38;
	[tilespmem:$0x1FA80] =	vst v63  }
0x1a: {  	_ =	swait.ge [sflag:s18], $0x4F00  }
0x1b: {  	[sflag:s18] =	ssyncset.done $0x0  }
0x1c: {  	s2 =	simm.s32 $0x9E00;
	[sflag:s18] =	ssyncadd.s32 $0xFFFFB100  }
0x1d: {  	[tilespmem:s2], [sflag:$0x3] =	stream.linear.gather [hbm4b:s13+s5], $0x4F00, $0x38;
	[tilespmem:$0x1FA80] =	vst v63  }
0x1e: {  	_ =	swait.ge [sflag:s18], $0x4F00  }
0x1f: {  	[sflag:s18] =	ssyncset.done $0x0  }
0x20: {  	s8 =	simm.s32 $0x12D00;
	s7 =	rddreg [dreg:$0x7];
	[sflag:s18] =	ssyncadd.s32 $0xFFFFB100  }
0x21: {  	[tilespmem:s8], [sflag:$0x3] =	stream.linear.gather [hbm4b:s7+s5], $0x800, $0x38;
	[tilespmem:$0x1FA80] =	vst v63  }
0x22: {  	_ =	swait.ge [sflag:s18], $0x800  }
0x23: {  	[sflag:s18] =	ssyncset.done $0x0  }
0x24: {  	s9 =	rddreg [dreg:$0x5];
	[sflag:s18] =	ssyncadd.s32 $0xFFFFF800  }
0x25: {  	[spmem:s21], [sflag:s20] =	dma.local [hbm:s9], $0x13C0  }
0x26: {  	_ =	swait.ge [sflag:s18], $0x13C0  }
0x27: {  	[sflag:s18] =	ssyncset.done $0x0  }
0x28: {  	s19 =	rddreg [dreg:$0x6];
	[sflag:s18] =	ssyncadd.s32 $0xFFFFEC40  }
0x29: {  	[spmem:s22], [sflag:s20] =	dma.local [hbm:s19], $0x4F0  }
0x2a: {  	_ =	swait.ge [sflag:s18], $0x4F0  }
0x2b: {  	[sflag:s18] =	ssyncset.done $0x0  }
0x2c: {  	p0 =	sgt.u32 s12, $0x0;
	[sflag:s18] =	ssyncadd.s32 $0xFFFFFB10  }
0x2d: {  	p1 =	sle.u32 @!p0 s14, $0x0;
	[bflag:$0x0] =	sbarrier.arrive $0xFFFF  }
0x2e: {  	[tilespmem:s24], [sflag:$0x1] =	stream.indirect.gather [hbm4b:s1+s23], $0x40, s5, s23, $0xb8;
	[tilespmem:$0x1FA80] =	vst v63  }
0x2f: {  	p0 =	por p1, p0  }
0x30: {  	[tilespmem:s25], [sflag:$0x2] =	stream.indirect.gather [hbm4b:s6+s23], $0x40, s2, s23, $0xb8;
	[tilespmem:$0x1FA80] =	vst v63  }
0x31: {  	s30 =	simm.s32 @!p0 $0x12D00;
	s31 =	simm.s32 @!p0 $0x3;
	s2 =	simm.s32 @!p0 $0x80  }
0x32: {  	[spmem:s4] =	stream.indirect.scatter.add.f32 @!p0 [tilespmem:s30], [sflag:$0x3], $0x10, s0, s2, $0xb8;
	[tilespmem:$0x1FA80] =	vst v63  }
0x33: {  	_ =	swait.ge @!p0 [sflag:s31], $0x800  }
0x34: {  	[sflag:s31] =	ssyncset.done @!p0 $0x0  }
0x35: {  	[sflag:s31] =	ssyncadd.s32 @!p0 $0xFFFFF800  }
0x36: {  	_ =	swait.ge [sflag:s26], $0x2000  }
0x37: {  	[sflag:s26] =	ssyncset.done $0x0  }
0x38: {  	[sflag:s26] =	ssyncadd.s32 $0xFFFFE000  }
0x39: {  	_ =	swait.ge [sflag:s28], $0x2000  }
0x3a: {  	[sflag:s28] =	ssyncset.done $0x0  }
0x3b: {  	[sflag:s28] =	ssyncadd.s32 $0xFFFFE000  }
0x3c: {  	[spmem:s3] =	stream.indirect.scatter.add.f32 [tilespmem:s24], [sflag:$0x3], $0x40, s0, s23, $0xb8;
	[tilespmem:$0x1FA80] =	vst v63  }
0x3d: {  	_ =	swait.ge [sflag:s18], $0x2000  }
0x3e: {  	[sflag:s18] =	ssyncset.done $0x0  }
0x3f: {  	s30 =	simm.s32 $0x1;
	s2 =	simm.s32 $0x80;
	[sflag:s18] =	ssyncadd.s32 $0xFFFFE000  }
0x40: {  	[spmem:s3] =	stream.indirect.scatter.add.f32 [tilespmem:s25], [sflag:$0x3], $0x40, s0, s23, $0xb8;
	[tilespmem:$0x1FA80] =	vst v63  }
0x41: {  	s31 =	simm.s32 $0x4F80;
	s0 =	simm.s32 $0x9E80;
	_ =	swait.ge [sflag:s18], $0x2000  }
.LBB2_2:
0x42: {  	p1 =	slt.u32 s30, s12;
	[sflag:s18] =	ssyncset.done $0x0  }
0x43: {  	s19 =	smov.u32 s30;
	s30 =	sadd.s32 $0x1, s30;
	s7 =	smov.u32 s31  }
0x44: {  	p2 =	sge.u32 @!p1 s19, s14;
	p0 =	sne.s32 s30, $0x9E;
	[sflag:s18] =	ssyncadd.s32 $0xFFFFE000  }
0x45: {  	[tilespmem:s24], [sflag:$0x1] =	stream.indirect.gather [hbm4b:s1+s23], $0x40, s2, s23, $0xb8;
	[tilespmem:$0x1FA80] =	vst v63  }
0x46: {  	p1 =	por p2, p1  }
0x47: {  	[tilespmem:s25], [sflag:$0x2] =	stream.indirect.gather [hbm4b:s6+s23], $0x40, s0, s23, $0xb8;
	[tilespmem:$0x1FA80] =	vst v63  }
0x48: {  	s19 =	simm.s32 @!p1 $0x80;
	s8 =	simm.s32 @!p1 $0x12D00;
	s9 =	simm.s32 @!p1 $0x3  }
0x49: {  	[spmem:s4] =	stream.indirect.scatter.add.f32 @!p1 [tilespmem:s8], [sflag:$0x3], $0x10, s31, s19, $0xb8;
	[tilespmem:$0x1FA80] =	vst v63  }
0x4a: {  	_ =	swait.ge @!p1 [sflag:s9], $0x800  }
0x4b: {  	[sflag:s9] =	ssyncset.done @!p1 $0x0  }
0x4c: {  	[sflag:s9] =	ssyncadd.s32 @!p1 $0xFFFFF800  }
0x4d: {  	_ =	swait.ge [sflag:s26], $0x2000  }
0x4e: {  	[sflag:s26] =	ssyncset.done $0x0  }
0x4f: {  	[sflag:s26] =	ssyncadd.s32 $0xFFFFE000  }
0x50: {  	_ =	swait.ge [sflag:s28], $0x2000  }
0x51: {  	[sflag:s28] =	ssyncset.done $0x0  }
0x52: {  	[sflag:s28] =	ssyncadd.s32 $0xFFFFE000  }
0x53: {  	[spmem:s3] =	stream.indirect.scatter.add.f32 [tilespmem:s24], [sflag:$0x3], $0x40, s31, s23, $0xb8;
	[tilespmem:$0x1FA80] =	vst v63  }
.Ltmp0:
0x54: {  	_ =	swait.ge [sflag:s18], $0x2000;
	(pc) =	sbr.rel @p0 .LBB2_2-.Ltmp0, $4  }
0x55: {  	[sflag:s18] =	ssyncset.done $0x0  }
0x56: {  	s31 =	sadd.s32 $0x80, s31;
	[sflag:s18] =	ssyncadd.s32 $0xFFFFE000  }
0x57: {  	[spmem:s3] =	stream.indirect.scatter.add.f32 [tilespmem:s25], [sflag:$0x3], $0x40, s7, s23, $0xb8;
	[tilespmem:$0x1FA80] =	vst v63  }
0x58: {  	s2 =	sadd.s32 $0x80, s2;
	s0 =	sadd.s32 $0x80, s0;
	_ =	swait.ge [sflag:s18], $0x2000  }
0x59: {  	[sflag:s18] =	ssyncset.done $0x0  }
0x5a: {  	[sflag:s18] =	ssyncadd.s32 $0xFFFFE000  }
0x5b: {  	[bflag:$0x0] =	sbarrier.arrive $0xFFFF  }
0x5c: {  	[hbm:s15], [sflag:s20] =	dma.local [spmem:s21], $0x13C0  }
0x5d: {  	s29 =	sadd.s32 $0x1, s29;
	_ =	swait.ge [sflag:s18], $0x13C0  }
0x5e: {  	p0 =	sne.s32 s29, s17;
	[sflag:s18] =	ssyncset.done $0x0  }
.Ltmp1:
0x5f: {  	[sflag:s18] =	ssyncadd.s32 $0xFFFFEC40;
	(pc) =	sbr.rel @p0 .LBB2_1-.Ltmp1, $4  }
0x60: {  	[hbm:s16], [sflag:s20] =	dma.local [spmem:s22], $0x4F0  }
0x61: {  	_ =	swait.ge [sflag:s18], $0x4F0  }
0x62: {  	[sflag:s18] =	ssyncset.done $0x0  }
0x63: {  	[sflag:s18] =	ssyncadd.s32 $0xFFFFFB10  }
0x64: {  	_ =	sfence.sel $0x180000  }
0x65: {  	[bflag:$0x0] =	sbarrier.arrive $0xFFFF  }
0x66: {  	_ =	strace $0x9000004A  }
0x67: {  	s0 =	stileid.u32;
	[bflag:$0x2] =	sbarrier.arrive $0xFFFF  }
0x68: {  	p0 =	sne.s32 s0, $0x0;
	s0 =	rddreg [dreg:$0x4]  }
0x69: {  	s0 =	sadd.s32 @!p0 $0x100000, s0  }
0x6a: {  	[sflag:s0] =	ssyncadd.tile.s32 @!p0 $0x1;
	_ =	shalt  }
.Lfunc_end2:
_tile_overlayer_lowered:
.L_overlay_start_2:
0x6b: {  	(tag) =	ssettag $0x2  }
0x6c: {  	s0 =	rddreg [dreg:$0x0];
	s2 =	stileid.u32  }
0x6d: {  	s1 =	rddreg [dreg:$0x1];
	p0 =	sne.s32 s2, $0x0  }
0x6e: {  	s3 =	rddreg [dreg:$0x2];
	[bflag:$0x3] =	sbarrier.arrive $0xFFFF;
	s2 =	simm.s32 @!p0 $0x1C03  }
0x6f: {  	[timem:s3], [sflag:s2] =	dma.local @!p0 [hbm:s0], s1  }
0x70: {  	s0 =	simm.s32 @!p0 $0x3  }
0x71: {  	_ =	swait.ge @!p0 [sflag:s0], s1  }
0x72: {  	s1 =	ssub.s32 @!p0 $0x0, s1;
	[sflag:s0] =	ssyncset.done @!p0 $0x0  }
0x73: {  	[sflag:s0] =	ssyncadd.s32 @!p0 s1  }
0x74: {  	[bflag:$0x3] =	sbarrier.arrive $0xFFFF  }
0x75: {  	_ =	shalt  }

// kernel: kernel.7.cloned.1.call-start
scs
__scs_entry_jumppad:
0x0: {  	(pc) =	sbr.rel $0x88, $3  }
0x1: {  	(tag) =	ssettag $0x0;
	lr =	simm.s32 $0x1  }
0x2: {  	[smem:$0x3F91] =	sst lr;
	_ =	strace $0xD0000000  }
0x3: {  	_ = 	snop  }
0x4: {  	_ = 	snop  }
0x5: {  	_ = 	snop  }
0x6: {  	_ = 	snop  }
0x7: {  	_ = 	snop  }
__scs_overlays_trampoline_lowered:
0x8: {  	[smem:$0x3FA0] =	sst s0  }
0x9: {  	[smem:$0x3FA1] =	sst s1  }
0xa: {  	[smem:$0x3FA2] =	sst s2  }
0xb: {  	[smem:$0x3FA3] =	sst s3  }
0xc: {  	[smem:$0x3FA4] =	sst s4  }
0xd: {  	[smem:$0x3FA5] =	sst s5  }
0xe: {  	[smem:$0x3FA6] =	sst s6  }
0xf: {  	[smem:$0x3FA7] =	sst s7  }
0x10: {  	[smem:$0x3FA8] =	sst s8  }
0x11: {  	[smem:$0x3FA9] =	sst s9;
	s0 =	simm.s32 @!p0 $0x0  }
0x12: {  	s1 =	sld [smem:$0x3F8F];
	s0 =	simm.s32 @p0 $0x1  }
0x13: {  	[smem:$0x3FAA] =	sst s0;
	s0 =	simm.s32 @!p1 $0x0  }
0x14: {  	s2 =	sld [smem:$0x3F8E];
	s0 =	simm.s32 @p1 $0x1  }
0x15: {  	[smem:$0x3FAB] =	sst s0;
	s0 =	simm.s32 @!p2 $0x0  }
0x16: {  	s3 =	sld [smem:$0x3FDB];
	s0 =	simm.s32 @p2 $0x1  }
0x17: {  	s4 =	simm.s32 $0x1BF5;
	[smem:$0x3FAD] =	sst s0  }
0x18: {  	s0 =	sld [smem:$0x3F90];
	_ =	swait.ge [sflag:s4], $0x0  }
0x19: {  	s7 =	sld [smem:$0x3F91]  }
0x1a: {  	s8 =	sadd.s32 $0xFFFFE003, lr  }
0x1b: {  	s9 =	sadd.s32 $0xFFFFFEF7, lr;
	s5 =	simm.s32 $0xFFFFFFFF;
	p2 =	slt.u32 s8, $0xFFFFF086  }
0x1c: {  	p1 =	slt.u32 s9, $0xF7A;
	s5 =	simm.s32 @!p2 $0x0  }
0x1d: {  	s5 =	simm.s32 @p1 $0x1;
	p0 =	seq.s32 s7, s2  }
0x1e: {  	s7 =	smul.u32 @!p0 $0xF7A, s2;
	p2 =	seq.s32 @!p0 s5, $0x0  }
0x1f: {  	s9 =	smul.u32 $0xF7A, s1;
	s8 =	simm.s32 @!p0 $0x1BF5;
	p2 =	por !p2, p0  }
0x20: {  	[sflag:s8] =	ssyncset.s32 @!p0 $0xFFFFF086;
	s6 =	sadd.s32 @!p0 s3, s7;
	s7 =	simm.s32 @!p0 $0x108  }
0x21: {  	s3 =	sadd.s32 s3, s9;
	s6 =	sadd.s32 @!p0 $0x88, s6;
	s7 =	simm.s32 @p2 $0x1082  }
0x22: {  	[simem:s7], [sflag:s8] =	dma.local @!p0 [hbm:s6], $0xF7A  }
0x23: {  	s9 =	sor.u32 $0xD0000000, s2;
	s6 =	simm.s32 $0x108;
	_ =	swait.ge @!p0 [sflag:s8], $0x0  }
0x24: {  	s3 =	sadd.s32 $0x88, s3;
	s6 =	simm.s32 @!p1 $0x1082;
	[sflag:s4] =	ssyncset.s32 $0xFFFFF086  }
0x25: {  	[simem:s6], [sflag:s4] =	dma.local [hbm:s3], $0xF7A  }
0x26: {  	[smem:$0x3F91] =	sst s1;
	(tag) =	ssettag s2;
	_ =	strace s9  }
0x27: {  	s1 =	sld [smem:$0x3FA1]  }
0x28: {  	s2 =	sld [smem:$0x3FA2]  }
0x29: {  	s4 =	sld [smem:$0x3FA4]  }
0x2a: {  	p0 =	seq.s32 s5, $0x0;
	s5 =	sld [smem:$0x3FA5]  }
0x2b: {  	s6 =	sld [smem:$0x3FA6]  }
0x2c: {  	s7 =	sld [smem:$0x3FA7]  }
0x2d: {  	s3 =	simm.s32 $0x108;
	s8 =	sld [smem:$0x3FA8]  }
0x2e: {  	s3 =	simm.s32 @!p0 $0x1082;
	s9 =	sld [smem:$0x3FA9]  }
0x2f: {  	lr =	sadd.s32 s0, s3;
	s0 =	sld [smem:$0x3FA0]  }
0x30: {  	s3 =	sld [smem:$0x3FA3]  }
0x31: {  	[smem:$0x3FAC] =	sst s10  }
0x32: {  	s10 =	sld [smem:$0x3FAA];
	_ =	sdelay $0x3  }
0x33: {  	p0 =	seq.s32 s10, $0x1;
	s10 =	sld [smem:$0x3FAC];
	_ =	sdelay $0x3  }
0x34: {  	[smem:$0x3FAC] =	sst s10  }
0x35: {  	s10 =	sld [smem:$0x3FAB];
	_ =	sdelay $0x3  }
0x36: {  	p1 =	seq.s32 s10, $0x1;
	s10 =	sld [smem:$0x3FAC];
	_ =	sdelay $0x3  }
0x37: {  	[smem:$0x3FAC] =	sst s10  }
0x38: {  	s10 =	sld [smem:$0x3FAD]  }
0x39: {  	_ = 	snop;
	(pc) =	sbr.ind lr, $3  }
0x3a: {  	_ = 	snop  }
0x3b: {  	_ = 	snop  }
0x3c: {  	p2 =	seq.s32 s10, $0x1;
	s10 =	sld [smem:$0x3FAC]  }
0x3d: {  	_ =	shalt  }
0x3e: {  	_ =	shalt  }
0x3f: {  	_ =	shalt  }
0x40: {  	_ =	shalt  }
0x41: {  	_ =	shalt  }
0x42: {  	_ =	shalt  }
0x43: {  	_ =	shalt  }
0x44: {  	_ =	shalt  }
0x45: {  	_ =	shalt  }
0x46: {  	_ =	shalt  }
0x47: {  	_ =	shalt  }
0x48: {  	_ =	shalt  }
0x49: {  	_ =	shalt  }
0x4a: {  	_ =	shalt  }
0x4b: {  	_ =	shalt  }
0x4c: {  	_ =	shalt  }
0x4d: {  	_ =	shalt  }
0x4e: {  	_ =	shalt  }
0x4f: {  	_ =	shalt  }
0x50: {  	_ =	shalt  }
0x51: {  	_ =	shalt  }
0x52: {  	_ =	shalt  }
0x53: {  	_ =	shalt  }
0x54: {  	_ =	shalt  }
0x55: {  	_ =	shalt  }
0x56: {  	_ =	shalt  }
0x57: {  	_ =	shalt  }
0x58: {  	_ =	shalt  }
0x59: {  	_ =	shalt  }
0x5a: {  	_ =	shalt  }
0x5b: {  	_ =	shalt  }
0x5c: {  	_ =	shalt  }
0x5d: {  	_ =	shalt  }
0x5e: {  	_ =	shalt  }
0x5f: {  	_ =	shalt  }
0x60: {  	_ =	shalt  }
0x61: {  	_ =	shalt  }
0x62: {  	_ =	shalt  }
0x63: {  	_ =	shalt  }
0x64: {  	_ =	shalt  }
0x65: {  	_ =	shalt  }
0x66: {  	_ =	shalt  }
0x67: {  	_ =	shalt  }
0x68: {  	_ =	shalt  }
0x69: {  	_ =	shalt  }
0x6a: {  	_ =	shalt  }
0x6b: {  	_ =	shalt  }
0x6c: {  	_ =	shalt  }
0x6d: {  	_ =	shalt  }
0x6e: {  	_ =	shalt  }
0x6f: {  	_ =	shalt  }
0x70: {  	_ =	shalt  }
0x71: {  	_ =	shalt  }
0x72: {  	_ =	shalt  }
0x73: {  	_ =	shalt  }
0x74: {  	_ =	shalt  }
0x75: {  	_ =	shalt  }
0x76: {  	_ =	shalt  }
0x77: {  	_ =	shalt  }
0x78: {  	_ =	shalt  }
0x79: {  	_ =	shalt  }
0x7a: {  	_ =	shalt  }
0x7b: {  	_ =	shalt  }
0x7c: {  	_ =	shalt  }
0x7d: {  	_ =	shalt  }
0x7e: {  	_ =	shalt  }
0x7f: {  	_ =	shalt  }
0x80: {  	_ =	shalt  }
0x81: {  	_ =	shalt  }
0x82: {  	_ =	shalt  }
0x83: {  	_ =	shalt  }
0x84: {  	_ =	shalt  }
0x85: {  	_ =	shalt  }
0x86: {  	_ =	shalt  }
0x87: {  	_ =	shalt  }
.Lfunc_end0:
.L_simem_size_0:
called_computation_lowered:
.L_overlay_start_0:
0x88: {  	s2 =	sld [smem:$0x3FD9]  }
0x89: {  	s3 =	sld [smem:$0x3FFE];
	_ =	sdelay $0x1  }
0x8a: {  	s1 =	srdreg.scid  }
0x8b: {  	s0 =	sand.u32 $0x1, s1  }
0x8c: {  	s16 =	sshll.u32 s0, $0xA;
	s2 =	sadd.s32 s3, s2  }
0x8d: {  	s2 =	sadd.s32 s2, s16  }
0x8e: {  	[smem:$0x3FB8] =	sst s2  }
0x8f: {  	_ = 	snop  }
0x90: {  	(tm) =	ssettm $0x1  }
0x91: {  	s17 =	sld [smem:$0x3FFB];
	_ =	sdelay $0x3  }
0x92: {  	_ =	strace s17  }
0x93: {  	s2 =	sld [smem:$0x3FFC];
	_ =	sdelay $0x3  }
0x94: {  	_ =	strace s2  }
0x95: {  	s2 =	sld [smem:$0x3FFD];
	_ =	sdelay $0x3  }
0x96: {  	_ =	strace s2  }
0x97: {  	_ =	strace $0x8FFFFFFF  }
0x98: {  	s18 =	sld [smem:$0x3FDB];
	_ =	sdelay $0x1  }
0x99: {  	s19 =	simm.s32 $_scs_section_size  }
0x9a: {  	s4 =	simm.s32 $_size__tile_overlayer_lowered;
	s5 =	simm.s32 $_tile_overlayer_lowered  }
0x9b: {  	s22 =	simm.s32 $0x1BFF;
	s21 =	sshll.u32 s5, $0x1;
	s2 =	sadd.s32 s19, s18  }
0x9c: {  	s6 =	simm.s32 $0x0;
	s20 =	sshll.u32 s4, $0x1;
	s4 =	sadd.s32 s21, s2  }
0x9d: {  	[timem:s6], [sflag:s22] =	dma.local [hbm:s4], s20  }
0x9e: {  	_ =	swait.ge [sflag:s22], s20  }
0x9f: {  	s3 =	ssub.s32 $0x0, s20;
	[sflag:s22] =	ssyncset.done $0x0  }
0xa0: {  	[sflag:s22] =	ssyncadd.s32 s3;
	_ =	sdelay $0x1  }
0xa1: {  	s23 =	simm.s32 $0x1B8B  }
0xa2: {  	_ =	swait.ge [sflag:s23], $0x1  }
0xa3: {  	[sflag:s23] =	ssyncset.done $0x0  }
0xa4: {  	s25 =	simm.s32 $0x1B8E;
	s24 =	sld [smem:$0x3FFE];
	[sflag:s23] =	ssyncadd.s32 $0xFFFFFFFF  }
0xa5: {  	s26 =	simm.s32 $execute0_lowered;
	[smem:$0x3FD2] =	sst s25  }
0xa6: {  	s4 =	sshll.u32 s26, $0x1;
	_ =	strace $0x80000046;
	[dreg:$0x1] =	wrdreg $0xFFFFFFFF  }
0xa7: {  	s28 =	simm.s32 $_size_execute0_lowered;
	s2 =	sadd.s32 s2, s4;
	[dreg:$0x0] =	wrdreg $0x0  }
0xa8: {  	s4 =	sshll.u32 s28, $0x1;
	[dreg:$0x2] =	wrdreg s2  }
0xa9: {  	[dreg:$0x3] =	wrdreg s4  }
0xaa: {  	[dreg:$0x4] =	wrdreg $0xC0  }
0xab: {  	_ =	task [dreg:s6], $0x5FFFF  }
0xac: {  	[dreg:$0x1] =	wrdreg $0xFFFFFFFF  }
0xad: {  	[dreg:$0x0] =	wrdreg $0x60  }
0xae: {  	[dreg:$0x2] =	wrdreg s24  }
0xaf: {  	[dreg:$0x3] =	wrdreg $0xD7000  }
0xb0: {  	[dreg:$0x4] =	wrdreg $0xE7000  }
0xb1: {  	[dreg:$0x5] =	wrdreg $0x9  }
0xb2: {  	_ =	task.clear_ibuf [dreg:s6], $0x6FFFF;
	_ =	strace $0x90000046  }
0xb3: {  	s29 =	simm.s32 $0x9;
	_ =	strace $0x80000048  }
0xb4: {  	_ =	swait.ge [sflag:s29], $0x1  }
0xb5: {  	[sflag:s29] =	ssyncadd.s32 $0xFFFFFFFF  }
0xb6: {  	_ =	strace $0x90000048  }
0xb7: {  	_ =	sfence  }
0xb8: {  	s30 =	sld [smem:$0x0];
	_ =	sdelay $0x2  }
0xb9: {  	s31 =	sshll.u32 s1, $0xD;
	s1 =	sshrl.u32 s1, $0x2  }
0xba: {  	s3 =	sand.u32 $0x4000, s31;
	s1 =	sadd.s32 s1, s30  }
0xbb: {  	s0 =	sor.u32 s3, s0;
	s1 =	sshll.u32 s1, $0x11  }
0xbc: {  	s0 =	sor.u32 s1, s0  }
0xbd: {  	s0 =	sadd.s32 $0x8F2B, s0  }
0xbe: {  	[sflag:s0] =	ssyncadd.remote.s32 $0x1  }
0xbf: {  	_ =	sfence.sel $0xFFFF  }
0xc0: {  	[dreg:$0x0] =	wrdreg $0xFFFFFFFF;
	(pc) =	sbr.abs _section_cstart, $3  }
0xc1: {  	[dreg:$0x1] =	wrdreg $0xFFFFFFFF  }
0xc2: {  	_ =	task.clear_ibuf [dreg:s6], $0x2FFFF;
	_ =	strace $0x9FFFFFFF  }
0xc3: {  	(tm) =	ssettm $0x7FFFFFFF  }
tec
execute0_lowered:
.L_overlay_start_1:
0x0: {  	(tag) =	ssettag $0x1  }
0x1: {  	s9 =	rddreg [dreg:$0x0]  }
0x2: {  	s1 =	srdreg.scid;
	s2 =	rddreg [dreg:$0x1]  }
0x3: {  	s0 =	stileid.u32;
	s3 =	rddreg [dreg:$0x2];
	s4 =	simm.s32 $0x0  }
0x4: {  	s16 =	simm.s32 $0xCF00;
	s20 =	simm.s32 $0x80;
	s21 =	simm.s32 $0x4F00  }
0x5: {  	s22 =	simm.s32 $0x1;
	s23 =	simm.s32 $0x8F00;
	s24 =	simm.s32 $0x2  }
0x6: {  	s25 =	simm.s32 $0x4E80;
	s10 =	sand.u32 $0x1, s1;
	s1 =	rddreg [dreg:$0x3]  }
0x7: {  	s26 =	simm.s32 $0x0;
	s29 =	sshll.u32 s0, $0x1;
	[smem:$0x7FF] =	sst s4  }
0x8: {  	s12 =	sshll.u32 s0, $0x5;
	s7 =	sadd.s32 $0x3F200, s9;
	s8 =	sadd.s32 $0x3F400, s9  }
0x9: {  	s15 =	sshll.u32 s0, $0xC;
	s31 =	sshll.u32 s0, $0x9;
	s17 =	sshll.u32 s0, $0x6  }
0xa: {  	s5 =	sor.u32 s10, s29;
	_ =	strace $0x80000047;
	s13 =	sshll.u32 s10, $0x9  }
0xb: {  	s10 =	ssub.s32 $0x2, s10;
	s18 =	sadd.s32 s15, s2;
	s19 =	sadd.s32 s31, s3  }
0xc: {  	s15 =	simm.s32 $0x2780;
	s17 =	sor.u32 $0x1C03, s17;
	s6 =	smul.u32 $0x4F0, s5  }
0xd: {  	s5 =	sadd.s32 $0x18000, s9;
	s12 =	sor.u32 s12, s13;
	s30 =	sshrl.u32 s10, $0x1  }
0xe: {  	s18 =	sshrl.u32 s18, $0x3;
	s19 =	sshrl.u32 s19, $0x3;
	s13 =	sshll.u32 s12, $0x4  }
0xf: {  	s12 =	sshll.u32 s12, $0x1;
	s14 =	ssub.s32 s10, s30;
	s11 =	sadd.s32 s6, s9  }
0x10: {  	s6 =	sadd.s32 $0x3F600, s9;
	s13 =	sadd.s32 s13, s9;
	s12 =	sadd.s32 s12, s9  }
0x11: {  	s9 =	sadd.s32 $0x4400, s11;
	s10 =	sadd.s32 $0xE200, s11;
	s11 =	sadd.s32 $0x40000, s13  }
0x12: {  	s12 =	sadd.s32 $0x3F800, s12;
	s13 =	smax.u32 s14, $0x1;
	s14 =	simm.s32 $0x3  }
.LBB2_1:
0x13: {  	[tilespmem:s4], [sflag:$0x3] =	stream.linear.gather [hbm4b:s9+s4], $0x2780, $0x38;
	[tilespmem:$0xE900] =	vst v63  }
0x14: {  	_ =	swait.ge [sflag:s14], $0x2780  }
0x15: {  	[sflag:s14] =	ssyncset.done $0x0  }
0x16: {  	[sflag:s14] =	ssyncadd.s32 $0xFFFFD880  }
0x17: {  	[tilespmem:s15], [sflag:$0x3] =	stream.linear.gather [hbm4b:s10+s4], $0x2780, $0x38;
	[tilespmem:$0xE900] =	vst v63  }
0x18: {  	_ =	swait.ge [sflag:s14], $0x2780  }
0x19: {  	[sflag:s14] =	ssyncset.done $0x0  }
0x1a: {  	[sflag:s14] =	ssyncadd.s32 $0xFFFFD880  }
0x1b: {  	[tilespmem:s16], [sflag:$0x3] =	stream.linear.gather [hbm4b:s8+s4], $0x800, $0x38;
	[tilespmem:$0xE900] =	vst v63  }
0x1c: {  	_ =	swait.ge [sflag:s14], $0x800  }
0x1d: {  	[sflag:s14] =	ssyncset.done $0x0  }
0x1e: {  	[sflag:s14] =	ssyncadd.s32 $0xFFFFF800  }
0x1f: {  	[spmem:s18], [sflag:s17] =	dma.local [hbm:s6], $0x200  }
0x20: {  	_ =	swait.ge [sflag:s14], $0x200  }
0x21: {  	[sflag:s14] =	ssyncset.done $0x0  }
0x22: {  	[sflag:s14] =	ssyncadd.s32 $0xFFFFFE00  }
0x23: {  	[spmem:s19], [sflag:s17] =	dma.local [hbm:s7], $0x40  }
0x24: {  	_ =	swait.ge [sflag:s14], $0x40  }
0x25: {  	[sflag:s14] =	ssyncset.done $0x0  }
0x26: {  	[sflag:s14] =	ssyncadd.s32 $0xFFFFFFC0  }
0x27: {  	[bflag:$0x0] =	sbarrier.arrive $0xFFFF  }
0x28: {  	[tilespmem:s21], [sflag:$0x1] =	stream.indirect.gather [hbm4b:s5+s20], $0x80, s4, s20, $0xb8;
	[tilespmem:$0xE900] =	vst v63  }
0x29: {  	_ =	swait.ge [sflag:s22], $0x4000  }
0x2a: {  	[sflag:s22] =	ssyncset.done $0x0  }
0x2b: {  	s28 =	simm.s32 $0x80;
	[sflag:s22] =	ssyncadd.s32 $0xFFFFC000  }
0x2c: {  	[tilespmem:s23], [sflag:$0x2] =	stream.indirect.gather [hbm4b:s5+s20], $0x80, s28, s20, $0xb8;
	[tilespmem:$0xE900] =	vst v63  }
0x2d: {  	s28 =	simm.s32 $0x2780  }
0x2e: {  	[spmem:s2] =	stream.indirect.scatter.add.f32 [tilespmem:s21], [sflag:$0x3], $0x80, s28, s20, $0xb8;
	[tilespmem:$0xE900] =	vst v63  }
0x2f: {  	_ =	swait.ge [sflag:s14], $0x4000  }
0x30: {  	[sflag:s14] =	ssyncset.done $0x0  }
0x31: {  	[sflag:s14] =	ssyncadd.s32 $0xFFFFC000  }
0x32: {  	[spmem:s3] =	stream.indirect.scatter.add.f32 [tilespmem:s16], [sflag:$0x3], $0x10, s28, s20, $0xb8;
	[tilespmem:$0xE900] =	vst v63  }
0x33: {  	_ =	swait.ge [sflag:s14], $0x800  }
0x34: {  	[sflag:s14] =	ssyncset.done $0x0  }
0x35: {  	[sflag:s14] =	ssyncadd.s32 $0xFFFFF800  }
0x36: {  	_ =	swait.ge [sflag:s24], $0x4000  }
0x37: {  	[sflag:s24] =	ssyncset.done $0x0  }
0x38: {  	s28 =	simm.s32 $0x100;
	[sflag:s24] =	ssyncadd.s32 $0xFFFFC000  }
0x39: {  	[tilespmem:s21], [sflag:$0x1] =	stream.indirect.gather [hbm4b:s5+s20], $0x80, s28, s20, $0xb8;
	[tilespmem:$0xE900] =	vst v63  }
0x3a: {  	s28 =	simm.s32 $0x2800  }
0x3b: {  	[spmem:s2] =	stream.indirect.scatter.add.f32 [tilespmem:s23], [sflag:$0x3], $0x80, s28, s20, $0xb8;
	[tilespmem:$0xE900] =	vst v63  }
0x3c: {  	_ =	swait.ge [sflag:s14], $0x4000  }
0x3d: {  	[sflag:s14] =	ssyncset.done $0x0  }
0x3e: {  	[sflag:s14] =	ssyncadd.s32 $0xFFFFC000  }
0x3f: {  	[spmem:s3] =	stream.indirect.scatter.add.f32 [tilespmem:s16], [sflag:$0x3], $0x10, s28, s20, $0xb8;
	[tilespmem:$0xE900] =	vst v63  }
0x40: {  	_ =	swait.ge [sflag:s14], $0x800  }
0x41: {  	s28 =	simm.s32 $0x400;
	[sflag:s14] =	ssyncset.done $0x0  }
.LBB2_2:
0x42: {  	p0 =	sne.s32 s28, $0x9800  }
0x43: {  	[sflag:s14] =	ssyncadd.s32 $0xFFFFF800;
	s29 =	smov.u32 s28;
	s28 =	sadd.s32 $0x400, s28  }
0x44: {  	_ =	swait.ge [sflag:s22], $0x4000  }
0x45: {  	s29 =	sshra.s32 s29, $0x2;
	[sflag:s22] =	ssyncset.done $0x0  }
0x46: {  	s30 =	sadd.s32 $0x80, s29;
	[sflag:s22] =	ssyncadd.s32 $0xFFFFC000  }
0x47: {  	[tilespmem:s23], [sflag:$0x2] =	stream.indirect.gather [hbm4b:s5+s20], $0x80, s30, s20, $0xb8;
	[tilespmem:$0xE900] =	vst v63  }
0x48: {  	s30 =	sadd.s32 $0x2780, s29  }
0x49: {  	[spmem:s2] =	stream.indirect.scatter.add.f32 [tilespmem:s21], [sflag:$0x3], $0x80, s30, s20, $0xb8;
	[tilespmem:$0xE900] =	vst v63  }
0x4a: {  	_ =	swait.ge [sflag:s14], $0x4000  }
0x4b: {  	[sflag:s14] =	ssyncset.done $0x0  }
0x4c: {  	[sflag:s14] =	ssyncadd.s32 $0xFFFFC000  }
0x4d: {  	[spmem:s3] =	stream.indirect.scatter.add.f32 [tilespmem:s16], [sflag:$0x3], $0x10, s30, s20, $0xb8;
	[tilespmem:$0xE900] =	vst v63  }
0x4e: {  	_ =	swait.ge [sflag:s14], $0x800  }
0x4f: {  	[sflag:s14] =	ssyncset.done $0x0  }
0x50: {  	[sflag:s14] =	ssyncadd.s32 $0xFFFFF800  }
0x51: {  	_ =	swait.ge [sflag:s24], $0x4000  }
0x52: {  	[sflag:s24] =	ssyncset.done $0x0  }
0x53: {  	s30 =	sadd.s32 $0x100, s29;
	[sflag:s24] =	ssyncadd.s32 $0xFFFFC000  }
0x54: {  	[tilespmem:s21], [sflag:$0x1] =	stream.indirect.gather [hbm4b:s5+s20], $0x80, s30, s20, $0xb8;
	[tilespmem:$0xE900] =	vst v63  }
0x55: {  	s29 =	sadd.s32 $0x2800, s29  }
0x56: {  	[spmem:s2] =	stream.indirect.scatter.add.f32 [tilespmem:s23], [sflag:$0x3], $0x80, s29, s20, $0xb8;
	[tilespmem:$0xE900] =	vst v63  }
0x57: {  	_ =	swait.ge [sflag:s14], $0x4000  }
.Ltmp0:
0x58: {  	[sflag:s14] =	ssyncset.done $0x0;
	(pc) =	sbr.rel @p0 .LBB2_2-.Ltmp0, $4  }
0x59: {  	[sflag:s14] =	ssyncadd.s32 $0xFFFFC000  }
0x5a: {  	[spmem:s3] =	stream.indirect.scatter.add.f32 [tilespmem:s16], [sflag:$0x3], $0x10, s29, s20, $0xb8;
	[tilespmem:$0xE900] =	vst v63  }
0x5b: {  	_ =	swait.ge [sflag:s14], $0x800  }
0x5c: {  	[sflag:s14] =	ssyncset.done $0x0  }
0x5d: {  	[sflag:s14] =	ssyncadd.s32 $0xFFFFF800  }
0x5e: {  	_ =	swait.ge [sflag:s22], $0x4000  }
0x5f: {  	[sflag:s22] =	ssyncset.done $0x0  }
0x60: {  	[sflag:s22] =	ssyncadd.s32 $0xFFFFC000  }
0x61: {  	[spmem:s2] =	stream.indirect.scatter.add.f32 [tilespmem:s21], [sflag:$0x3], $0x80, s25, s20, $0xb8;
	[tilespmem:$0xE900] =	vst v63  }
0x62: {  	_ =	swait.ge [sflag:s14], $0x4000  }
0x63: {  	[sflag:s14] =	ssyncset.done $0x0  }
0x64: {  	[sflag:s14] =	ssyncadd.s32 $0xFFFFC000  }
0x65: {  	[spmem:s3] =	stream.indirect.scatter.add.f32 [tilespmem:s16], [sflag:$0x3], $0x10, s25, s20, $0xb8;
	[tilespmem:$0xE900] =	vst v63  }
0x66: {  	_ =	swait.ge [sflag:s14], $0x800  }
0x67: {  	[sflag:s14] =	ssyncset.done $0x0  }
0x68: {  	[sflag:s14] =	ssyncadd.s32 $0xFFFFF800  }
0x69: {  	[bflag:$0x0] =	sbarrier.arrive $0xFFFF  }
0x6a: {  	[hbm:s11], [sflag:s17] =	dma.local [spmem:s18], $0x200  }
0x6b: {  	s26 =	sadd.s32 $0x1, s26;
	_ =	swait.ge [sflag:s14], $0x200  }
0x6c: {  	p0 =	sne.s32 s26, s13;
	[sflag:s14] =	ssyncset.done $0x0  }
.Ltmp1:
0x6d: {  	[sflag:s14] =	ssyncadd.s32 $0xFFFFFE00;
	(pc) =	sbr.rel @p0 .LBB2_1-.Ltmp1, $4  }
0x6e: {  	[hbm:s12], [sflag:s17] =	dma.local [spmem:s19], $0x40  }
0x6f: {  	_ =	swait.ge [sflag:s14], $0x40  }
0x70: {  	[sflag:s14] =	ssyncset.done $0x0  }
0x71: {  	[sflag:s14] =	ssyncadd.s32 $0xFFFFFFC0  }
0x72: {  	_ =	sfence.sel $0x180000  }
0x73: {  	[bflag:$0x0] =	sbarrier.arrive $0xFFFF  }
0x74: {  	p0 =	sne.s32 s0, $0x0;
	_ =	strace $0x90000047  }
0x75: {  	s0 =	sadd.s32 @!p0 $0x100000, s1;
	[bflag:$0x2] =	sbarrier.arrive $0xFFFF  }
0x76: {  	[sflag:s0] =	ssyncadd.tile.s32 @!p0 $0x1;
	_ =	shalt  }
.Lfunc_end2:
_tile_overlayer_lowered:
.L_overlay_start_2:
0x77: {  	(tag) =	ssettag $0x2  }
0x78: {  	s0 =	rddreg [dreg:$0x0];
	s2 =	stileid.u32  }
0x79: {  	s1 =	rddreg [dreg:$0x1];
	p0 =	sne.s32 s2, $0x0  }
0x7a: {  	s3 =	rddreg [dreg:$0x2];
	[bflag:$0x3] =	sbarrier.arrive $0xFFFF;
	s2 =	simm.s32 @!p0 $0x1C03  }
0x7b: {  	[timem:s3], [sflag:s2] =	dma.local @!p0 [hbm:s0], s1  }
0x7c: {  	s0 =	simm.s32 @!p0 $0x3  }
0x7d: {  	_ =	swait.ge @!p0 [sflag:s0], s1  }
0x7e: {  	s1 =	ssub.s32 @!p0 $0x0, s1;
	[sflag:s0] =	ssyncset.done @!p0 $0x0  }
0x7f: {  	[sflag:s0] =	ssyncadd.s32 @!p0 s1  }
0x80: {  	[bflag:$0x3] =	sbarrier.arrive $0xFFFF  }
0x81: {  	_ =	shalt  }

</sc_bundles>
